<compile_context>
chip_gen: v7x
topology: tpu7x:2x2x1
jax: 0.10.2.dev20260603
libtpu: 0.0.44.dev20260713+nightly
codegen_flags: <defaults>
</compile_context>

<pallas_src>
import functools

import jax
import jax.numpy as jnp
from jax import lax
from jax.experimental import pallas as pl
from jax.experimental.pallas import tpu as pltpu
from jax.experimental.pallas import tpu_sc as plsc

B = 512
D_FEAT = 128
D_EDGE = 16
NODE_BLK = 2000

N_WORKERS = 32
EDGE_CHUNK = 2000
ACC = B * D_EDGE
CSTRIDE = B + 1


def _splat(v, j):
    idx = jnp.full((16, 1), j, jnp.int32)
    dn = lax.GatherDimensionNumbers(
        offset_dims=(), collapsed_slice_dims=(0,), start_index_map=(0,))
    return lax.gather(v, idx, dn, slice_sizes=(1,),
                      mode=lax.GatherScatterMode.PROMISE_IN_BOUNDS)


def _node_body(batch_ref, x_ref, nsum_ref, ncnt_ref):
    i = pl.program_id(0)

    @pl.when(i == 0)
    def _init():
        nsum_ref[...] = jnp.zeros_like(nsum_ref)
        ncnt_ref[...] = jnp.zeros_like(ncnt_ref)

    b_ids = batch_ref[0, :, :]
    seg = lax.broadcasted_iota(jnp.int32, (1, B), 1)
    eq = (b_ids == seg).astype(jnp.float32)

    dn = (((0,), (0,)), ((), ()))
    nsum_ref[...] += lax.dot_general(eq, x_ref[...], dn,
                                     preferred_element_type=jnp.float32)
    ones = jnp.ones((NODE_BLK, 1), jnp.float32)
    ncnt_ref[...] += lax.dot_general(eq, ones, dn,
                                     preferred_element_type=jnp.float32)


def _make_sc_edge(n_edges):
    edges_per_w = n_edges // N_WORKERS
    n_chunks = edges_per_w // EDGE_CHUNK
    groups = EDGE_CHUNK // 16

    mesh = plsc.VectorSubcoreMesh(core_axis_name="c", subcore_axis_name="s")

    @functools.partial(
        pl.kernel,
        out_type=(jax.ShapeDtypeStruct((N_WORKERS, ACC), jnp.float32),
                  jax.ShapeDtypeStruct((N_WORKERS, 16 * CSTRIDE), jnp.float32)),
        mesh=mesh,
        scratch_types=[
            pltpu.VMEM((50000,), jnp.int32),
            pltpu.VMEM((EDGE_CHUNK,), jnp.int32),
            pltpu.VMEM((EDGE_CHUNK, D_EDGE), jnp.float32),
            pltpu.VMEM((ACC,), jnp.float32),
            pltpu.VMEM((16 * CSTRIDE,), jnp.float32),
        ],
        compiler_params=pltpu.CompilerParams(needs_layout_passes=False,
                                             use_tc_tiling_on_sc=False),
    )
    def sc_edge(src_hbm, bp_hbm, attr_hbm, acc_hbm, cnt_hbm,
                bp_v, src_v, attr_v, acc_v, cnt_v):
        wid = lax.axis_index("s") * 2 + lax.axis_index("c")
        pltpu.sync_copy(bp_hbm, bp_v)

        z16 = jnp.zeros((16,), jnp.float32)

        def zbody(i, carry):
            acc_v[pl.ds(i * 16, 16)] = z16
            return carry

        def zbody2(i, carry):
            cnt_v[pl.ds(i * 16, 16)] = z16
            return carry

        lax.fori_loop(0, ACC // 16, zbody, 0)
        lax.fori_loop(0, 16 * CSTRIDE // 16, zbody2, 0)

        iota = lax.iota(jnp.int32, 16)
        lane_base = iota * CSTRIDE
        ones = jnp.ones((16,), jnp.float32)
        wbase = wid * edges_per_w

        def chunk_body(c, carry):
            base = wbase + c * EDGE_CHUNK
            pltpu.sync_copy(src_hbm.at[pl.ds(base, EDGE_CHUNK)], src_v)
            pltpu.sync_copy(attr_hbm.at[pl.ds(base, EDGE_CHUNK), :], attr_v)

            @plsc.parallel_loop(0, groups, 1, unroll=2)
            def gbody(g):
                s = src_v[pl.ds(g * 16, 16)]
                word = plsc.load_gather(bp_v, [s >> 1])
                shift = (s & 1) << 4
                seg = (word >> shift) & 0xFFFF
                seg16 = seg * D_EDGE
                for j in range(16):
                    row = attr_v[g * 16 + j, :]
                    plsc.addupdate_scatter(acc_v, [_splat(seg16, j) + iota],
                                           row)
                plsc.addupdate_scatter(cnt_v, [lane_base + seg], ones)

            return carry

        lax.fori_loop(0, n_chunks, chunk_body, 0)
        pltpu.sync_copy(acc_v, acc_hbm.at[wid])
        pltpu.sync_copy(cnt_v, cnt_hbm.at[wid])

    return sc_edge


def _final_body(u_ref, nsum_ref, ncnt_ref, eacc_ref, ecnt_ref,
                W1_ref, b1_ref, W2_ref, b2_ref, W3_ref, b3_ref, out_ref):
    nmean = nsum_ref[...] / jnp.maximum(ncnt_ref[...], 1.0)

    esum = jnp.sum(eacc_ref[...], axis=0)
    cnt16 = jnp.sum(ecnt_ref[...], axis=0)
    dn = (((0,), (0,)), ((), ()))
    ecnt_col = lax.dot_general(cnt16, jnp.ones((16, 1), jnp.float32), dn,
                               preferred_element_type=jnp.float32)
    emean = esum / jnp.maximum(ecnt_col, 1.0)

    W1 = W1_ref[...]
    h = (u_ref[...] @ W1[0:128]
         + nmean @ W1[128:256]
         + emean @ W1[256:272]
         + b1_ref[...])
    h = jnp.maximum(h, 0.0)
    h = jnp.maximum(h @ W2_ref[...] + b2_ref[...], 0.0)
    out_ref[...] = h @ W3_ref[...] + b3_ref[...]


@jax.jit
def kernel(x, edge_index, edge_attr, u, batch, W1, b1, W2, b2, W3, b3):
    n_nodes = x.shape[0]
    n_edges = edge_attr.shape[0]
    n_nb = n_nodes // NODE_BLK

    b32 = batch.astype(jnp.int32)
    batch3 = b32.reshape(n_nb, NODE_BLK, 1)
    bp = b32[0::2] | (b32[1::2] << 16)
    src = edge_index[0].astype(jnp.int32)

    nsum, ncnt = pl.pallas_call(
        _node_body,
        grid=(n_nb,),
        in_specs=[
            pl.BlockSpec((1, NODE_BLK, 1), lambda i: (i, 0, 0)),
            pl.BlockSpec((NODE_BLK, D_FEAT), lambda i: (i, 0)),
        ],
        out_specs=[
            pl.BlockSpec((B, D_FEAT), lambda i: (0, 0)),
            pl.BlockSpec((B, 1), lambda i: (0, 0)),
        ],
        out_shape=[
            jax.ShapeDtypeStruct((B, D_FEAT), jnp.float32),
            jax.ShapeDtypeStruct((B, 1), jnp.float32),
        ],
    )(batch3, x)

    acc, cnt = _make_sc_edge(n_edges)(src, bp, edge_attr)
    eacc = acc.reshape(N_WORKERS, B, D_EDGE)
    ecnt = cnt.reshape(N_WORKERS, 16, CSTRIDE)[:, :, :B]

    out = pl.pallas_call(
        _final_body,
        out_shape=jax.ShapeDtypeStruct((B, D_FEAT), jnp.float32),
    )(u, nsum, ncnt, eacc, ecnt, W1, b1, W2, b2, W3, b3)
    return out

# --- scband reference (transcript-rebuilt; emitter-appended) ---
"""Pipeline reference for scband-global-model-8461085573691 (READ-ONLY COPY).

The authoritative reference and input builder live on the scoring server;
editing this copy changes nothing except your own understanding.
"""

import jax, jax.numpy as jnp
import numpy as np

N_NODES = 100000
N_EDGES = 1600000
D_FEAT = 128
D_EDGE = 16
B_GRAPHS = 512
U_DIM = 128
HIDDEN = 128
OUT = 128
IN_SIZE = U_DIM + D_FEAT + D_EDGE


def setup_inputs(seed: int = 0) -> dict:
    key = jax.random.key(seed)
    ks = jax.random.split(key, 12)
    x = jax.random.normal(ks[0], (N_NODES, D_FEAT), dtype=jnp.float32)
    edge_index = jax.random.randint(ks[1], (2, N_EDGES), 0, N_NODES, dtype=jnp.int64)
    edge_attr = jax.random.normal(ks[2], (N_EDGES, D_EDGE), dtype=jnp.float32)
    u = jax.random.normal(ks[3], (B_GRAPHS, U_DIM), dtype=jnp.float32)
    batch = jnp.sort(jax.random.randint(ks[4], (N_NODES,), 0, B_GRAPHS, dtype=jnp.int64))
    W1 = jax.random.normal(ks[5], (IN_SIZE, HIDDEN), dtype=jnp.float32) * 0.05
    b1 = jnp.zeros((HIDDEN,), dtype=jnp.float32)
    W2 = jax.random.normal(ks[6], (HIDDEN, HIDDEN), dtype=jnp.float32) * 0.05
    b2 = jnp.zeros((HIDDEN,), dtype=jnp.float32)
    W3 = jax.random.normal(ks[7], (HIDDEN, OUT), dtype=jnp.float32) * 0.05
    b3 = jnp.zeros((OUT,), dtype=jnp.float32)
    return {"x": x, "edge_index": edge_index, "edge_attr": edge_attr, "u": u,
            "batch": batch, "W1": W1, "b1": b1, "W2": W2, "b2": b2, "W3": W3, "b3": b3}


def _scatter_mean(data, idx, num_segments):
    s = jax.ops.segment_sum(data, idx, num_segments=num_segments)
    cnt = jax.ops.segment_sum(jnp.ones((data.shape[0],), dtype=data.dtype), idx, num_segments=num_segments)
    return s / jnp.maximum(cnt, 1.0)[:, None]


def reference(x, edge_index, edge_attr, u, batch, W1, b1, W2, b2, W3, b3):
    B = u.shape[0]
    node_attr_mean = _scatter_mean(x, batch, B)
    edge_seg = batch[edge_index[0]]
    edge_attr_mean = _scatter_mean(edge_attr, edge_seg, B)
    model_input = jnp.concatenate([u, node_attr_mean, edge_attr_mean], axis=1)
    h = jnp.maximum(model_input @ W1 + b1, 0.0)
    h = jnp.maximum(h @ W2 + b2, 0.0)
    out = h @ W3 + b3
    assert out.shape == u.shape
    return out

if __name__ == "__main__":
    import jax
    _d = setup_inputs()
    print(jax.jit(kernel)(*tuple(_d.values())))

</pallas_src>

<mosaic_0001>
#map = affine_map<(d0, d1) -> (0)>
#map1 = affine_map<(d0, d1) -> (0, 0)>
module attributes {stable_mosaic.version = 14 : i64} {
  func.func @sc_edge(%arg0: i32, %arg1: i32, %arg2: memref<1600000xi32, #tpu.memory_space<hbm>>, %arg3: memref<50000xi32, #tpu.memory_space<hbm>>, %arg4: memref<1600000x16xf32, #tpu.memory_space<hbm>>, %arg5: memref<32x8192xf32, #tpu.memory_space<hbm>>, %arg6: memref<32x8208xf32, #tpu.memory_space<hbm>>, %arg7: memref<50000xi32, #tpu.memory_space<vmem>>, %arg8: memref<2000xi32, #tpu.memory_space<vmem>>, %arg9: memref<2000x16xf32, #tpu.memory_space<vmem>>, %arg10: memref<8192xf32, #tpu.memory_space<vmem>>, %arg11: memref<8208xf32, #tpu.memory_space<vmem>>) attributes {dimension_semantics = [#tpu.dimension_semantics<core_parallel>, #tpu.dimension_semantics<subcore_parallel>], iteration_bounds = array<i64: 2, 16>, scalar_prefetch = 0 : i64, scratch_operands = 5 : i64, tpu.core_type = #tpu.core_type<sc_vector_subcore>, window_params = [{transform_indices = #map}, {transform_indices = #map}, {transform_indices = #map1}, {transform_indices = #map1}, {transform_indices = #map1}]} {
    %mul3A = arith.constant 2 : i32
    %mul3A_0 = arith.muli %arg1, %mul3A : i32
    %add3A = arith.addi %mul3A_0, %arg0 : i32
    "tpu.region"() ({
      %run_scoped3A = tpu.sem_alloc : memref<!tpu.dma_semaphore, #tpu.memory_space<semaphore_mem>>
      tpu.enqueue_dma source(%arg3 : memref<50000xi32, #tpu.memory_space<hbm>>) target(%arg7 : memref<50000xi32, #tpu.memory_space<vmem>>) target_semaphore(%run_scoped3A : memref<!tpu.dma_semaphore, #tpu.memory_space<semaphore_mem>>)
      tpu.wait_dma2 semaphore(%run_scoped3A : memref<!tpu.dma_semaphore, #tpu.memory_space<semaphore_mem>>) src(%arg3 : memref<50000xi32, #tpu.memory_space<hbm>>) dst(%arg7 : memref<50000xi32, #tpu.memory_space<vmem>>)
      tpu.yield
    }) : () -> ()
    %broadcast_in_dim3A = arith.constant 0.000000e+00 : f32
    %broadcast_in_dim3A_1 = vector.broadcast %broadcast_in_dim3A : f32 to vector<16xf32>
    %scan3A = arith.constant 0 : i32
    %scan3A_2 = arith.constant 0 : i32
    %scan3A_3 = arith.constant 512 : i32
    %scan3A_4 = arith.addi %scan3A_2, %scan3A_3 : i32
    %scan3A_5 = arith.constant 1 : i32
    scf.for %scan3A_26 = %scan3A_2 to %scan3A_4 step %scan3A_5  : i32 {
      %mul3A_27 = arith.constant 16 : i32
      %mul3A_28 = arith.muli %scan3A_26, %mul3A_27 : i32
      %swap3A = arith.index_cast %mul3A_28 : i32 to index
      %swap3A_29 = tpu.vector_load %arg10[%swap3A] {strides = array<i32>} : memref<8192xf32, #tpu.memory_space<vmem>>, vector<16xf32>,
      tpu.vector_store %arg10[%swap3A], %broadcast_in_dim3A_1 {strides = array<i32>} : memref<8192xf32, #tpu.memory_space<vmem>>, vector<16xf32>,
    }
    %scan3A_6 = arith.constant 512 : i32
    %scan3A_7 = arith.constant 0 : i32
    %scan3A_8 = arith.constant 0 : i32
    %scan3A_9 = arith.constant 513 : i32
    %scan3A_10 = arith.addi %scan3A_8, %scan3A_9 : i32
    %scan3A_11 = arith.constant 1 : i32
    scf.for %scan3A_26 = %scan3A_8 to %scan3A_10 step %scan3A_11  : i32 {
      %mul3A_27 = arith.constant 16 : i32
      %mul3A_28 = arith.muli %scan3A_26, %mul3A_27 : i32
      %swap3A = arith.index_cast %mul3A_28 : i32 to index
      %swap3A_29 = tpu.vector_load %arg11[%swap3A] {strides = array<i32>} : memref<8208xf32, #tpu.memory_space<vmem>>, vector<16xf32>,
      tpu.vector_store %arg11[%swap3A], %broadcast_in_dim3A_1 {strides = array<i32>} : memref<8208xf32, #tpu.memory_space<vmem>>, vector<16xf32>,
    }
    %scan3A_12 = arith.constant 513 : i32
    %iota3A = tpu.iota {dimensions = array<i32: 0>} : vector<16xi32>
    %mul3A_13 = arith.constant 513 : i32
    %mul3A_14 = vector.broadcast %mul3A_13 : i32 to vector<16xi32>
    %mul3A_15 = arith.muli %iota3A, %mul3A_14 : vector<16xi32>
    %broadcast_in_dim3A_16 = arith.constant 1.000000e+00 : f32
    %broadcast_in_dim3A_17 = vector.broadcast %broadcast_in_dim3A_16 : f32 to vector<16xf32>
    %mul3A_18 = arith.constant 50000 : i32
    %mul3A_19 = arith.muli %add3A, %mul3A_18 : i32
    %scan3A_20 = arith.constant 0 : i32
    %scan3A_21 = arith.constant 0 : i32
    %scan3A_22 = arith.constant 25 : i32
    %scan3A_23 = arith.addi %scan3A_21, %scan3A_22 : i32
    %scan3A_24 = arith.constant 1 : i32
    scf.for %scan3A_26 = %scan3A_21 to %scan3A_23 step %scan3A_24  : i32 {
      %mul3A_27 = arith.constant 2000 : i32
      %mul3A_28 = arith.muli %scan3A_26, %mul3A_27 : i32
      %add3A_29 = arith.addi %mul3A_19, %mul3A_28 : i32
      "tpu.region"() ({
        %run_scoped3A = tpu.sem_alloc : memref<!tpu.dma_semaphore, #tpu.memory_space<semaphore_mem>>
        %dma_start3A = tpu.memref_slice %arg2[%add3A_29] : memref<1600000xi32, #tpu.memory_space<hbm>> -> memref<2000xi32, #tpu.memory_space<hbm>>
        %dma_start3A_32 = tpu.memref_slice %arg2[%add3A_29] : memref<1600000xi32, #tpu.memory_space<hbm>> -> memref<2000xi32, #tpu.memory_space<hbm>>
        tpu.enqueue_dma source(%dma_start3A_32 : memref<2000xi32, #tpu.memory_space<hbm>>) target(%arg8 : memref<2000xi32, #tpu.memory_space<vmem>>) target_semaphore(%run_scoped3A : memref<!tpu.dma_semaphore, #tpu.memory_space<semaphore_mem>>)
        %dma_wait3A = tpu.memref_slice %arg2[%add3A_29] : memref<1600000xi32, #tpu.memory_space<hbm>> -> memref<2000xi32, #tpu.memory_space<hbm>>
        %dma_wait3A_33 = tpu.memref_slice %arg2[%add3A_29] : memref<1600000xi32, #tpu.memory_space<hbm>> -> memref<2000xi32, #tpu.memory_space<hbm>>
        tpu.wait_dma2 semaphore(%run_scoped3A : memref<!tpu.dma_semaphore, #tpu.memory_space<semaphore_mem>>) src(%dma_wait3A_33 : memref<2000xi32, #tpu.memory_space<hbm>>) dst(%arg8 : memref<2000xi32, #tpu.memory_space<vmem>>)
        tpu.yield
      }) : () -> ()
      "tpu.region"() ({
        %run_scoped3A = tpu.sem_alloc : memref<!tpu.dma_semaphore, #tpu.memory_space<semaphore_mem>>
        %dma_start3A = arith.constant 0 : i32
        %dma_start3A_32 = tpu.memref_slice %arg4[%add3A_29, %dma_start3A] : memref<1600000x16xf32, #tpu.memory_space<hbm>> -> memref<2000x16xf32, #tpu.memory_space<hbm>>
        %dma_start3A_33 = arith.constant 0 : i32
        %dma_start3A_34 = tpu.memref_slice %arg4[%add3A_29, %dma_start3A_33] : memref<1600000x16xf32, #tpu.memory_space<hbm>> -> memref<2000x16xf32, #tpu.memory_space<hbm>>
        tpu.enqueue_dma source(%dma_start3A_34 : memref<2000x16xf32, #tpu.memory_space<hbm>>) target(%arg9 : memref<2000x16xf32, #tpu.memory_space<vmem>>) target_semaphore(%run_scoped3A : memref<!tpu.dma_semaphore, #tpu.memory_space<semaphore_mem>>)
        %dma_wait3A = arith.constant 0 : i32
        %dma_wait3A_35 = tpu.memref_slice %arg4[%add3A_29, %dma_wait3A] : memref<1600000x16xf32, #tpu.memory_space<hbm>> -> memref<2000x16xf32, #tpu.memory_space<hbm>>
        %dma_wait3A_36 = arith.constant 0 : i32
        %dma_wait3A_37 = tpu.memref_slice %arg4[%add3A_29, %dma_wait3A_36] : memref<1600000x16xf32, #tpu.memory_space<hbm>> -> memref<2000x16xf32, #tpu.memory_space<hbm>>
        tpu.wait_dma2 semaphore(%run_scoped3A : memref<!tpu.dma_semaphore, #tpu.memory_space<semaphore_mem>>) src(%dma_wait3A_37 : memref<2000x16xf32, #tpu.memory_space<hbm>>) dst(%arg9 : memref<2000x16xf32, #tpu.memory_space<vmem>>)
        tpu.yield
      }) : () -> ()
      %parallel_loop3A = arith.constant 0 : i32
      %parallel_loop3A_30 = arith.constant 125 : i32
      %parallel_loop3A_31 = arith.constant 1 : i32
      scf.for %parallel_loop3A_32 = %parallel_loop3A to %parallel_loop3A_30 step %parallel_loop3A_31  : i32 {
        %parallel_loop3A_33 = arith.constant 16 : i32
        %parallel_loop3A_34 = arith.muli %parallel_loop3A_32, %parallel_loop3A_33 : i32
        %parallel_loop3A_35 = arith.index_cast %parallel_loop3A_34 : i32 to index
        %parallel_loop3A_36 = tpu.vector_load %arg8[%parallel_loop3A_35] {strides = array<i32>} : memref<2000xi32, #tpu.memory_space<vmem>>, vector<16xi32>,
        %parallel_loop3A_37 = arith.constant 1 : i32
        %parallel_loop3A_38 = vector.broadcast %parallel_loop3A_37 : i32 to vector<16xi32>
        %parallel_loop3A_39 = arith.shrsi %parallel_loop3A_36, %parallel_loop3A_38 : vector<16xi32>
        %parallel_loop3A_40 = tpu.vector_load_idx %arg7[%parallel_loop3A_39] : memref<50000xi32, #tpu.memory_space<vmem>>[vector<16xi32>], vector<16xi32>,
        %parallel_loop3A_41 = arith.constant 1 : i32
        %parallel_loop3A_42 = vector.broadcast %parallel_loop3A_41 : i32 to vector<16xi32>
        %parallel_loop3A_43 = arith.andi %parallel_loop3A_36, %parallel_loop3A_42 : vector<16xi32>
        %parallel_loop3A_44 = arith.constant 4 : i32
        %parallel_loop3A_45 = vector.broadcast %parallel_loop3A_44 : i32 to vector<16xi32>
        %parallel_loop3A_46 = arith.shli %parallel_loop3A_43, %parallel_loop3A_45 : vector<16xi32>
        %parallel_loop3A_47 = arith.shrsi %parallel_loop3A_40, %parallel_loop3A_46 : vector<16xi32>
        %parallel_loop3A_48 = arith.constant 65535 : i32
        %parallel_loop3A_49 = vector.broadcast %parallel_loop3A_48 : i32 to vector<16xi32>
        %parallel_loop3A_50 = arith.andi %parallel_loop3A_47, %parallel_loop3A_49 : vector<16xi32>
        %parallel_loop3A_51 = arith.constant 16 : i32
        %parallel_loop3A_52 = vector.broadcast %parallel_loop3A_51 : i32 to vector<16xi32>
        %parallel_loop3A_53 = arith.muli %parallel_loop3A_50, %parallel_loop3A_52 : vector<16xi32>
        %parallel_loop3A_54 = arith.constant 16 : i32
        %parallel_loop3A_55 = arith.muli %parallel_loop3A_32, %parallel_loop3A_54 : i32
        %parallel_loop3A_56 = arith.constant 0 : i32
        %parallel_loop3A_57 = arith.addi %parallel_loop3A_55, %parallel_loop3A_56 : i32
        %parallel_loop3A_58 = arith.index_cast %parallel_loop3A_57 : i32 to index
        %parallel_loop3A_59 = arith.constant 0 : index
        %parallel_loop3A_60 = tpu.vector_load %arg9[%parallel_loop3A_58, %parallel_loop3A_59] {strides = array<i32>} : memref<2000x16xf32, #tpu.memory_space<vmem>>, vector<16xf32>,
        %parallel_loop3A_61 = arith.constant 0 : i32
        %parallel_loop3A_62 = vector.broadcast %parallel_loop3A_61 : i32 to vector<16x1xi32>
        %parallel_loop3A_63 = vector.shape_cast %parallel_loop3A_62 : vector<16x1xi32> to vector<16xi32>
        %parallel_loop3A_64 = tpu.dynamic_gather %parallel_loop3A_53[%parallel_loop3A_63] in [0] : vector<16xi32>, vector<16xi32> -> vector<16xi32>
        %parallel_loop3A_65 = arith.addi %parallel_loop3A_64, %iota3A : vector<16xi32>
        tpu.vector_store_idx %arg10[%parallel_loop3A_65], %parallel_loop3A_60 {add = true} : memref<8192xf32, #tpu.memory_space<vmem>>[vector<16xi32>], vector<16xf32>,
        %parallel_loop3A_66 = arith.constant 16 : i32
        %parallel_loop3A_67 = arith.muli %parallel_loop3A_32, %parallel_loop3A_66 : i32
        %parallel_loop3A_68 = arith.constant 1 : i32
        %parallel_loop3A_69 = arith.addi %parallel_loop3A_67, %parallel_loop3A_68 : i32
        %parallel_loop3A_70 = arith.index_cast %parallel_loop3A_69 : i32 to index
        %parallel_loop3A_71 = arith.constant 0 : index
        %parallel_loop3A_72 = tpu.vector_load %arg9[%parallel_loop3A_70, %parallel_loop3A_71] {strides = array<i32>} : memref<2000x16xf32, #tpu.memory_space<vmem>>, vector<16xf32>,
        %parallel_loop3A_73 = arith.constant 1 : i32
        %parallel_loop3A_74 = vector.broadcast %parallel_loop3A_73 : i32 to vector<16x1xi32>
        %parallel_loop3A_75 = vector.shape_cast %parallel_loop3A_74 : vector<16x1xi32> to vector<16xi32>
        %parallel_loop3A_76 = tpu.dynamic_gather %parallel_loop3A_53[%parallel_loop3A_75] in [0] : vector<16xi32>, vector<16xi32> -> vector<16xi32>
        %parallel_loop3A_77 = arith.addi %parallel_loop3A_76, %iota3A : vector<16xi32>
        tpu.vector_store_idx %arg10[%parallel_loop3A_77], %parallel_loop3A_72 {add = true} : memref<8192xf32, #tpu.memory_space<vmem>>[vector<16xi32>], vector<16xf32>,
        %parallel_loop3A_78 = arith.constant 16 : i32
        %parallel_loop3A_79 = arith.muli %parallel_loop3A_32, %parallel_loop3A_78 : i32
        %parallel_loop3A_80 = arith.constant 2 : i32
        %parallel_loop3A_81 = arith.addi %parallel_loop3A_79, %parallel_loop3A_80 : i32
        %parallel_loop3A_82 = arith.index_cast %parallel_loop3A_81 : i32 to index
        %parallel_loop3A_83 = arith.constant 0 : index
        %parallel_loop3A_84 = tpu.vector_load %arg9[%parallel_loop3A_82, %parallel_loop3A_83] {strides = array<i32>} : memref<2000x16xf32, #tpu.memory_space<vmem>>, vector<16xf32>,
        %parallel_loop3A_85 = arith.constant 2 : i32
        %parallel_loop3A_86 = vector.broadcast %parallel_loop3A_85 : i32 to vector<16x1xi32>
        %parallel_loop3A_87 = vector.shape_cast %parallel_loop3A_86 : vector<16x1xi32> to vector<16xi32>
        %parallel_loop3A_88 = tpu.dynamic_gather %parallel_loop3A_53[%parallel_loop3A_87] in [0] : vector<16xi32>, vector<16xi32> -> vector<16xi32>
        %parallel_loop3A_89 = arith.addi %parallel_loop3A_88, %iota3A : vector<16xi32>
        tpu.vector_store_idx %arg10[%parallel_loop3A_89], %parallel_loop3A_84 {add = true} : memref<8192xf32, #tpu.memory_space<vmem>>[vector<16xi32>], vector<16xf32>,
        %parallel_loop3A_90 = arith.constant 16 : i32
        %parallel_loop3A_91 = arith.muli %parallel_loop3A_32, %parallel_loop3A_90 : i32
        %parallel_loop3A_92 = arith.constant 3 : i32
        %parallel_loop3A_93 = arith.addi %parallel_loop3A_91, %parallel_loop3A_92 : i32
        %parallel_loop3A_94 = arith.index_cast %parallel_loop3A_93 : i32 to index
        %parallel_loop3A_95 = arith.constant 0 : index
        %parallel_loop3A_96 = tpu.vector_load %arg9[%parallel_loop3A_94, %parallel_loop3A_95] {strides = array<i32>} : memref<2000x16xf32, #tpu.memory_space<vmem>>, vector<16xf32>,
        %parallel_loop3A_97 = arith.constant 3 : i32
        %parallel_loop3A_98 = vector.broadcast %parallel_loop3A_97 : i32 to vector<16x1xi32>
        %parallel_loop3A_99 = vector.shape_cast %parallel_loop3A_98 : vector<16x1xi32> to vector<16xi32>
        %parallel_loop3A_100 = tpu.dynamic_gather %parallel_loop3A_53[%parallel_loop3A_99] in [0] : vector<16xi32>, vector<16xi32> -> vector<16xi32>
        %parallel_loop3A_101 = arith.addi %parallel_loop3A_100, %iota3A : vector<16xi32>
        tpu.vector_store_idx %arg10[%parallel_loop3A_101], %parallel_loop3A_96 {add = true} : memref<8192xf32, #tpu.memory_space<vmem>>[vector<16xi32>], vector<16xf32>,
        %parallel_loop3A_102 = arith.constant 16 : i32
        %parallel_loop3A_103 = arith.muli %parallel_loop3A_32, %parallel_loop3A_102 : i32
        %parallel_loop3A_104 = arith.constant 4 : i32
        %parallel_loop3A_105 = arith.addi %parallel_loop3A_103, %parallel_loop3A_104 : i32
        %parallel_loop3A_106 = arith.index_cast %parallel_loop3A_105 : i32 to index
        %parallel_loop3A_107 = arith.constant 0 : index
        %parallel_loop3A_108 = tpu.vector_load %arg9[%parallel_loop3A_106, %parallel_loop3A_107] {strides = array<i32>} : memref<2000x16xf32, #tpu.memory_space<vmem>>, vector<16xf32>,
        %parallel_loop3A_109 = arith.constant 4 : i32
        %parallel_loop3A_110 = vector.broadcast %parallel_loop3A_109 : i32 to vector<16x1xi32>
        %parallel_loop3A_111 = vector.shape_cast %parallel_loop3A_110 : vector<16x1xi32> to vector<16xi32>
        %parallel_loop3A_112 = tpu.dynamic_gather %parallel_loop3A_53[%parallel_loop3A_111] in [0] : vector<16xi32>, vector<16xi32> -> vector<16xi32>
        %parallel_loop3A_113 = arith.addi %parallel_loop3A_112, %iota3A : vector<16xi32>
        tpu.vector_store_idx %arg10[%parallel_loop3A_113], %parallel_loop3A_108 {add = true} : memref<8192xf32, #tpu.memory_space<vmem>>[vector<16xi32>], vector<16xf32>,
        %parallel_loop3A_114 = arith.constant 16 : i32
        %parallel_loop3A_115 = arith.muli %parallel_loop3A_32, %parallel_loop3A_114 : i32
        %parallel_loop3A_116 = arith.constant 5 : i32
        %parallel_loop3A_117 = arith.addi %parallel_loop3A_115, %parallel_loop3A_116 : i32
        %parallel_loop3A_118 = arith.index_cast %parallel_loop3A_117 : i32 to index
        %parallel_loop3A_119 = arith.constant 0 : index
        %parallel_loop3A_120 = tpu.vector_load %arg9[%parallel_loop3A_118, %parallel_loop3A_119] {strides = array<i32>} : memref<2000x16xf32, #tpu.memory_space<vmem>>, vector<16xf32>,
        %parallel_loop3A_121 = arith.constant 5 : i32
        %parallel_loop3A_122 = vector.broadcast %parallel_loop3A_121 : i32 to vector<16x1xi32>
        %parallel_loop3A_123 = vector.shape_cast %parallel_loop3A_122 : vector<16x1xi32> to vector<16xi32>
        %parallel_loop3A_124 = tpu.dynamic_gather %parallel_loop3A_53[%parallel_loop3A_123] in [0] : vector<16xi32>, vector<16xi32> -> vector<16xi32>
        %parallel_loop3A_125 = arith.addi %parallel_loop3A_124, %iota3A : vector<16xi32>
        tpu.vector_store_idx %arg10[%parallel_loop3A_125], %parallel_loop3A_120 {add = true} : memref<8192xf32, #tpu.memory_space<vmem>>[vector<16xi32>], vector<16xf32>,
        %parallel_loop3A_126 = arith.constant 16 : i32
        %parallel_loop3A_127 = arith.muli %parallel_loop3A_32, %parallel_loop3A_126 : i32
        %parallel_loop3A_128 = arith.constant 6 : i32
        %parallel_loop3A_129 = arith.addi %parallel_loop3A_127, %parallel_loop3A_128 : i32
        %parallel_loop3A_130 = arith.index_cast %parallel_loop3A_129 : i32 to index
        %parallel_loop3A_131 = arith.constant 0 : index
        %parallel_loop3A_132 = tpu.vector_load %arg9[%parallel_loop3A_130, %parallel_loop3A_131] {strides = array<i32>} : memref<2000x16xf32, #tpu.memory_space<vmem>>, vector<16xf32>,
        %parallel_loop3A_133 = arith.constant 6 : i32
        %parallel_loop3A_134 = vector.broadcast %parallel_loop3A_133 : i32 to vector<16x1xi32>
        %parallel_loop3A_135 = vector.shape_cast %parallel_loop3A_134 : vector<16x1xi32> to vector<16xi32>
        %parallel_loop3A_136 = tpu.dynamic_gather %parallel_loop3A_53[%parallel_loop3A_135] in [0] : vector<16xi32>, vector<16xi32> -> vector<16xi32>
        %parallel_loop3A_137 = arith.addi %parallel_loop3A_136, %iota3A : vector<16xi32>
        tpu.vector_store_idx %arg10[%parallel_loop3A_137], %parallel_loop3A_132 {add = true} : memref<8192xf32, #tpu.memory_space<vmem>>[vector<16xi32>], vector<16xf32>,
        %parallel_loop3A_138 = arith.constant 16 : i32
        %parallel_loop3A_139 = arith.muli %parallel_loop3A_32, %parallel_loop3A_138 : i32
        %parallel_loop3A_140 = arith.constant 7 : i32
        %parallel_loop3A_141 = arith.addi %parallel_loop3A_139, %parallel_loop3A_140 : i32
        %parallel_loop3A_142 = arith.index_cast %parallel_loop3A_141 : i32 to index
        %parallel_loop3A_143 = arith.constant 0 : index
        %parallel_loop3A_144 = tpu.vector_load %arg9[%parallel_loop3A_142, %parallel_loop3A_143] {strides = array<i32>} : memref<2000x16xf32, #tpu.memory_space<vmem>>, vector<16xf32>,
        %parallel_loop3A_145 = arith.constant 7 : i32
        %parallel_loop3A_146 = vector.broadcast %parallel_loop3A_145 : i32 to vector<16x1xi32>
        %parallel_loop3A_147 = vector.shape_cast %parallel_loop3A_146 : vector<16x1xi32> to vector<16xi32>
        %parallel_loop3A_148 = tpu.dynamic_gather %parallel_loop3A_53[%parallel_loop3A_147] in [0] : vector<16xi32>, vector<16xi32> -> vector<16xi32>
        %parallel_loop3A_149 = arith.addi %parallel_loop3A_148, %iota3A : vector<16xi32>
        tpu.vector_store_idx %arg10[%parallel_loop3A_149], %parallel_loop3A_144 {add = true} : memref<8192xf32, #tpu.memory_space<vmem>>[vector<16xi32>], vector<16xf32>,
        %parallel_loop3A_150 = arith.constant 16 : i32
        %parallel_loop3A_151 = arith.muli %parallel_loop3A_32, %parallel_loop3A_150 : i32
        %parallel_loop3A_152 = arith.constant 8 : i32
        %parallel_loop3A_153 = arith.addi %parallel_loop3A_151, %parallel_loop3A_152 : i32
        %parallel_loop3A_154 = arith.index_cast %parallel_loop3A_153 : i32 to index
        %parallel_loop3A_155 = arith.constant 0 : index
        %parallel_loop3A_156 = tpu.vector_load %arg9[%parallel_loop3A_154, %parallel_loop3A_155] {strides = array<i32>} : memref<2000x16xf32, #tpu.memory_space<vmem>>, vector<16xf32>,
        %parallel_loop3A_157 = arith.constant 8 : i32
        %parallel_loop3A_158 = vector.broadcast %parallel_loop3A_157 : i32 to vector<16x1xi32>
        %parallel_loop3A_159 = vector.shape_cast %parallel_loop3A_158 : vector<16x1xi32> to vector<16xi32>
        %parallel_loop3A_160 = tpu.dynamic_gather %parallel_loop3A_53[%parallel_loop3A_159] in [0] : vector<16xi32>, vector<16xi32> -> vector<16xi32>
        %parallel_loop3A_161 = arith.addi %parallel_loop3A_160, %iota3A : vector<16xi32>
        tpu.vector_store_idx %arg10[%parallel_loop3A_161], %parallel_loop3A_156 {add = true} : memref<8192xf32, #tpu.memory_space<vmem>>[vector<16xi32>], vector<16xf32>,
        %parallel_loop3A_162 = arith.constant 16 : i32
        %parallel_loop3A_163 = arith.muli %parallel_loop3A_32, %parallel_loop3A_162 : i32
        %parallel_loop3A_164 = arith.constant 9 : i32
        %parallel_loop3A_165 = arith.addi %parallel_loop3A_163, %parallel_loop3A_164 : i32
        %parallel_loop3A_166 = arith.index_cast %parallel_loop3A_165 : i32 to index
        %parallel_loop3A_167 = arith.constant 0 : index
        %parallel_loop3A_168 = tpu.vector_load %arg9[%parallel_loop3A_166, %parallel_loop3A_167] {strides = array<i32>} : memref<2000x16xf32, #tpu.memory_space<vmem>>, vector<16xf32>,
        %parallel_loop3A_169 = arith.constant 9 : i32
        %parallel_loop3A_170 = vector.broadcast %parallel_loop3A_169 : i32 to vector<16x1xi32>
        %parallel_loop3A_171 = vector.shape_cast %parallel_loop3A_170 : vector<16x1xi32> to vector<16xi32>
        %parallel_loop3A_172 = tpu.dynamic_gather %parallel_loop3A_53[%parallel_loop3A_171] in [0] : vector<16xi32>, vector<16xi32> -> vector<16xi32>
        %parallel_loop3A_173 = arith.addi %parallel_loop3A_172, %iota3A : vector<16xi32>
        tpu.vector_store_idx %arg10[%parallel_loop3A_173], %parallel_loop3A_168 {add = true} : memref<8192xf32, #tpu.memory_space<vmem>>[vector<16xi32>], vector<16xf32>,
        %parallel_loop3A_174 = arith.constant 16 : i32
        %parallel_loop3A_175 = arith.muli %parallel_loop3A_32, %parallel_loop3A_174 : i32
        %parallel_loop3A_176 = arith.constant 10 : i32
        %parallel_loop3A_177 = arith.addi %parallel_loop3A_175, %parallel_loop3A_176 : i32
        %parallel_loop3A_178 = arith.index_cast %parallel_loop3A_177 : i32 to index
        %parallel_loop3A_179 = arith.constant 0 : index
        %parallel_loop3A_180 = tpu.vector_load %arg9[%parallel_loop3A_178, %parallel_loop3A_179] {strides = array<i32>} : memref<2000x16xf32, #tpu.memory_space<vmem>>, vector<16xf32>,
        %parallel_loop3A_181 = arith.constant 10 : i32
        %parallel_loop3A_182 = vector.broadcast %parallel_loop3A_181 : i32 to vector<16x1xi32>
        %parallel_loop3A_183 = vector.shape_cast %parallel_loop3A_182 : vector<16x1xi32> to vector<16xi32>
        %parallel_loop3A_184 = tpu.dynamic_gather %parallel_loop3A_53[%parallel_loop3A_183] in [0] : vector<16xi32>, vector<16xi32> -> vector<16xi32>
        %parallel_loop3A_185 = arith.addi %parallel_loop3A_184, %iota3A : vector<16xi32>
        tpu.vector_store_idx %arg10[%parallel_loop3A_185], %parallel_loop3A_180 {add = true} : memref<8192xf32, #tpu.memory_space<vmem>>[vector<16xi32>], vector<16xf32>,
        %parallel_loop3A_186 = arith.constant 16 : i32
        %parallel_loop3A_187 = arith.muli %parallel_loop3A_32, %parallel_loop3A_186 : i32
        %parallel_loop3A_188 = arith.constant 11 : i32
        %parallel_loop3A_189 = arith.addi %parallel_loop3A_187, %parallel_loop3A_188 : i32
        %parallel_loop3A_190 = arith.index_cast %parallel_loop3A_189 : i32 to index
        %parallel_loop3A_191 = arith.constant 0 : index
        %parallel_loop3A_192 = tpu.vector_load %arg9[%parallel_loop3A_190, %parallel_loop3A_191] {strides = array<i32>} : memref<2000x16xf32, #tpu.memory_space<vmem>>, vector<16xf32>,
        %parallel_loop3A_193 = arith.constant 11 : i32
        %parallel_loop3A_194 = vector.broadcast %parallel_loop3A_193 : i32 to vector<16x1xi32>
        %parallel_loop3A_195 = vector.shape_cast %parallel_loop3A_194 : vector<16x1xi32> to vector<16xi32>
        %parallel_loop3A_196 = tpu.dynamic_gather %parallel_loop3A_53[%parallel_loop3A_195] in [0] : vector<16xi32>, vector<16xi32> -> vector<16xi32>
        %parallel_loop3A_197 = arith.addi %parallel_loop3A_196, %iota3A : vector<16xi32>
        tpu.vector_store_idx %arg10[%parallel_loop3A_197], %parallel_loop3A_192 {add = true} : memref<8192xf32, #tpu.memory_space<vmem>>[vector<16xi32>], vector<16xf32>,
        %parallel_loop3A_198 = arith.constant 16 : i32
        %parallel_loop3A_199 = arith.muli %parallel_loop3A_32, %parallel_loop3A_198 : i32
        %parallel_loop3A_200 = arith.constant 12 : i32
        %parallel_loop3A_201 = arith.addi %parallel_loop3A_199, %parallel_loop3A_200 : i32
        %parallel_loop3A_202 = arith.index_cast %parallel_loop3A_201 : i32 to index
        %parallel_loop3A_203 = arith.constant 0 : index
        %parallel_loop3A_204 = tpu.vector_load %arg9[%parallel_loop3A_202, %parallel_loop3A_203] {strides = array<i32>} : memref<2000x16xf32, #tpu.memory_space<vmem>>, vector<16xf32>,
        %parallel_loop3A_205 = arith.constant 12 : i32
        %parallel_loop3A_206 = vector.broadcast %parallel_loop3A_205 : i32 to vector<16x1xi32>
        %parallel_loop3A_207 = vector.shape_cast %parallel_loop3A_206 : vector<16x1xi32> to vector<16xi32>
        %parallel_loop3A_208 = tpu.dynamic_gather %parallel_loop3A_53[%parallel_loop3A_207] in [0] : vector<16xi32>, vector<16xi32> -> vector<16xi32>
        %parallel_loop3A_209 = arith.addi %parallel_loop3A_208, %iota3A : vector<16xi32>
        tpu.vector_store_idx %arg10[%parallel_loop3A_209], %parallel_loop3A_204 {add = true} : memref<8192xf32, #tpu.memory_space<vmem>>[vector<16xi32>], vector<16xf32>,
        %parallel_loop3A_210 = arith.constant 16 : i32
        %parallel_loop3A_211 = arith.muli %parallel_loop3A_32, %parallel_loop3A_210 : i32
        %parallel_loop3A_212 = arith.constant 13 : i32
        %parallel_loop3A_213 = arith.addi %parallel_loop3A_211, %parallel_loop3A_212 : i32
        %parallel_loop3A_214 = arith.index_cast %parallel_loop3A_213 : i32 to index
        %parallel_loop3A_215 = arith.constant 0 : index
        %parallel_loop3A_216 = tpu.vector_load %arg9[%parallel_loop3A_214, %parallel_loop3A_215] {strides = array<i32>} : memref<2000x16xf32, #tpu.memory_space<vmem>>, vector<16xf32>,
        %parallel_loop3A_217 = arith.constant 13 : i32
        %parallel_loop3A_218 = vector.broadcast %parallel_loop3A_217 : i32 to vector<16x1xi32>
        %parallel_loop3A_219 = vector.shape_cast %parallel_loop3A_218 : vector<16x1xi32> to vector<16xi32>
        %parallel_loop3A_220 = tpu.dynamic_gather %parallel_loop3A_53[%parallel_loop3A_219] in [0] : vector<16xi32>, vector<16xi32> -> vector<16xi32>
        %parallel_loop3A_221 = arith.addi %parallel_loop3A_220, %iota3A : vector<16xi32>
        tpu.vector_store_idx %arg10[%parallel_loop3A_221], %parallel_loop3A_216 {add = true} : memref<8192xf32, #tpu.memory_space<vmem>>[vector<16xi32>], vector<16xf32>,
        %parallel_loop3A_222 = arith.constant 16 : i32
        %parallel_loop3A_223 = arith.muli %parallel_loop3A_32, %parallel_loop3A_222 : i32
        %parallel_loop3A_224 = arith.constant 14 : i32
        %parallel_loop3A_225 = arith.addi %parallel_loop3A_223, %parallel_loop3A_224 : i32
        %parallel_loop3A_226 = arith.index_cast %parallel_loop3A_225 : i32 to index
        %parallel_loop3A_227 = arith.constant 0 : index
        %parallel_loop3A_228 = tpu.vector_load %arg9[%parallel_loop3A_226, %parallel_loop3A_227] {strides = array<i32>} : memref<2000x16xf32, #tpu.memory_space<vmem>>, vector<16xf32>,
        %parallel_loop3A_229 = arith.constant 14 : i32
        %parallel_loop3A_230 = vector.broadcast %parallel_loop3A_229 : i32 to vector<16x1xi32>
        %parallel_loop3A_231 = vector.shape_cast %parallel_loop3A_230 : vector<16x1xi32> to vector<16xi32>
        %parallel_loop3A_232 = tpu.dynamic_gather %parallel_loop3A_53[%parallel_loop3A_231] in [0] : vector<16xi32>, vector<16xi32> -> vector<16xi32>
        %parallel_loop3A_233 = arith.addi %parallel_loop3A_232, %iota3A : vector<16xi32>
        tpu.vector_store_idx %arg10[%parallel_loop3A_233], %parallel_loop3A_228 {add = true} : memref<8192xf32, #tpu.memory_space<vmem>>[vector<16xi32>], vector<16xf32>,
        %parallel_loop3A_234 = arith.constant 16 : i32
        %parallel_loop3A_235 = arith.muli %parallel_loop3A_32, %parallel_loop3A_234 : i32
        %parallel_loop3A_236 = arith.constant 15 : i32
        %parallel_loop3A_237 = arith.addi %parallel_loop3A_235, %parallel_loop3A_236 : i32
        %parallel_loop3A_238 = arith.index_cast %parallel_loop3A_237 : i32 to index
        %parallel_loop3A_239 = arith.constant 0 : index
        %parallel_loop3A_240 = tpu.vector_load %arg9[%parallel_loop3A_238, %parallel_loop3A_239] {strides = array<i32>} : memref<2000x16xf32, #tpu.memory_space<vmem>>, vector<16xf32>,
        %parallel_loop3A_241 = arith.constant 15 : i32
        %parallel_loop3A_242 = vector.broadcast %parallel_loop3A_241 : i32 to vector<16x1xi32>
        %parallel_loop3A_243 = vector.shape_cast %parallel_loop3A_242 : vector<16x1xi32> to vector<16xi32>
        %parallel_loop3A_244 = tpu.dynamic_gather %parallel_loop3A_53[%parallel_loop3A_243] in [0] : vector<16xi32>, vector<16xi32> -> vector<16xi32>
        %parallel_loop3A_245 = arith.addi %parallel_loop3A_244, %iota3A : vector<16xi32>
        tpu.vector_store_idx %arg10[%parallel_loop3A_245], %parallel_loop3A_240 {add = true} : memref<8192xf32, #tpu.memory_space<vmem>>[vector<16xi32>], vector<16xf32>,
        %parallel_loop3A_246 = arith.addi %mul3A_15, %parallel_loop3A_50 : vector<16xi32>
        tpu.vector_store_idx %arg11[%parallel_loop3A_246], %broadcast_in_dim3A_17 {add = true} : memref<8208xf32, #tpu.memory_space<vmem>>[vector<16xi32>], vector<16xf32>,
      } {sc.loop_unroll_factor = 2 : i64, sc.parallel_access}
    }
    %scan3A_25 = arith.constant 25 : i32
    "tpu.region"() ({
      %run_scoped3A = tpu.sem_alloc : memref<!tpu.dma_semaphore, #tpu.memory_space<semaphore_mem>>
      %dma_start3A = arith.constant 0 : i32
      %dma_start3A_26 = tpu.memref_slice %arg5[%add3A, %dma_start3A] : memref<32x8192xf32, #tpu.memory_space<hbm>> -> memref<1x8192xf32, #tpu.memory_space<hbm>>
      %dma_start3A_27 = tpu.memref_squeeze %dma_start3A_26 : memref<1x8192xf32, #tpu.memory_space<hbm>> -> memref<8192xf32, #tpu.memory_space<hbm>>
      %dma_start3A_28 = arith.constant 0 : i32
      %dma_start3A_29 = tpu.memref_slice %arg5[%add3A, %dma_start3A_28] : memref<32x8192xf32, #tpu.memory_space<hbm>> -> memref<1x8192xf32, #tpu.memory_space<hbm>>
      %dma_start3A_30 = tpu.memref_squeeze %dma_start3A_29 : memref<1x8192xf32, #tpu.memory_space<hbm>> -> memref<8192xf32, #tpu.memory_space<hbm>>
      tpu.enqueue_dma source(%arg10 : memref<8192xf32, #tpu.memory_space<vmem>>) target(%dma_start3A_30 : memref<8192xf32, #tpu.memory_space<hbm>>) target_semaphore(%run_scoped3A : memref<!tpu.dma_semaphore, #tpu.memory_space<semaphore_mem>>)
      %dma_wait3A = arith.constant 0 : i32
      %dma_wait3A_31 = tpu.memref_slice %arg5[%add3A, %dma_wait3A] : memref<32x8192xf32, #tpu.memory_space<hbm>> -> memref<1x8192xf32, #tpu.memory_space<hbm>>
      %dma_wait3A_32 = tpu.memref_squeeze %dma_wait3A_31 : memref<1x8192xf32, #tpu.memory_space<hbm>> -> memref<8192xf32, #tpu.memory_space<hbm>>
      %dma_wait3A_33 = arith.constant 0 : i32
      %dma_wait3A_34 = tpu.memref_slice %arg5[%add3A, %dma_wait3A_33] : memref<32x8192xf32, #tpu.memory_space<hbm>> -> memref<1x8192xf32, #tpu.memory_space<hbm>>
      %dma_wait3A_35 = tpu.memref_squeeze %dma_wait3A_34 : memref<1x8192xf32, #tpu.memory_space<hbm>> -> memref<8192xf32, #tpu.memory_space<hbm>>
      tpu.wait_dma2 semaphore(%run_scoped3A : memref<!tpu.dma_semaphore, #tpu.memory_space<semaphore_mem>>) src(%arg10 : memref<8192xf32, #tpu.memory_space<vmem>>) dst(%dma_wait3A_35 : memref<8192xf32, #tpu.memory_space<hbm>>)
      tpu.yield
    }) : () -> ()
    "tpu.region"() ({
      %run_scoped3A = tpu.sem_alloc : memref<!tpu.dma_semaphore, #tpu.memory_space<semaphore_mem>>
      %dma_start3A = arith.constant 0 : i32
      %dma_start3A_26 = tpu.memref_slice %arg6[%add3A, %dma_start3A] : memref<32x8208xf32, #tpu.memory_space<hbm>> -> memref<1x8208xf32, #tpu.memory_space<hbm>>
      %dma_start3A_27 = tpu.memref_squeeze %dma_start3A_26 : memref<1x8208xf32, #tpu.memory_space<hbm>> -> memref<8208xf32, #tpu.memory_space<hbm>>
      %dma_start3A_28 = arith.constant 0 : i32
      %dma_start3A_29 = tpu.memref_slice %arg6[%add3A, %dma_start3A_28] : memref<32x8208xf32, #tpu.memory_space<hbm>> -> memref<1x8208xf32, #tpu.memory_space<hbm>>
      %dma_start3A_30 = tpu.memref_squeeze %dma_start3A_29 : memref<1x8208xf32, #tpu.memory_space<hbm>> -> memref<8208xf32, #tpu.memory_space<hbm>>
      tpu.enqueue_dma source(%arg11 : memref<8208xf32, #tpu.memory_space<vmem>>) target(%dma_start3A_30 : memref<8208xf32, #tpu.memory_space<hbm>>) target_semaphore(%run_scoped3A : memref<!tpu.dma_semaphore, #tpu.memory_space<semaphore_mem>>)
      %dma_wait3A = arith.constant 0 : i32
      %dma_wait3A_31 = tpu.memref_slice %arg6[%add3A, %dma_wait3A] : memref<32x8208xf32, #tpu.memory_space<hbm>> -> memref<1x8208xf32, #tpu.memory_space<hbm>>
      %dma_wait3A_32 = tpu.memref_squeeze %dma_wait3A_31 : memref<1x8208xf32, #tpu.memory_space<hbm>> -> memref<8208xf32, #tpu.memory_space<hbm>>
      %dma_wait3A_33 = arith.constant 0 : i32
      %dma_wait3A_34 = tpu.memref_slice %arg6[%add3A, %dma_wait3A_33] : memref<32x8208xf32, #tpu.memory_space<hbm>> -> memref<1x8208xf32, #tpu.memory_space<hbm>>
      %dma_wait3A_35 = tpu.memref_squeeze %dma_wait3A_34 : memref<1x8208xf32, #tpu.memory_space<hbm>> -> memref<8208xf32, #tpu.memory_space<hbm>>
      tpu.wait_dma2 semaphore(%run_scoped3A : memref<!tpu.dma_semaphore, #tpu.memory_space<semaphore_mem>>) src(%arg11 : memref<8208xf32, #tpu.memory_space<vmem>>) dst(%dma_wait3A_35 : memref<8208xf32, #tpu.memory_space<hbm>>)
      tpu.yield
    }) : () -> ()
    return
  }
}

module attributes {stable_mosaic.version = 14 : i64} {
  func.func @_node_body(%arg0: i32, %arg1: memref<1x2000x1xi32, #tpu.memory_space<vmem>>, %arg2: memref<2000x128xf32, #tpu.memory_space<vmem>>, %arg3: memref<512x128xf32, #tpu.memory_space<vmem>>, %arg4: memref<512x1xf32, #tpu.memory_space<vmem>>) attributes {dimension_semantics = [#tpu.dimension_semantics<arbitrary>], iteration_bounds = array<i64: 50>, scalar_prefetch = 0 : i64, scratch_operands = 0 : i64, tpu.core_type = #tpu.core_type<tc>, window_params = [{transform_indices = @transform_0, window_bounds = array<i64: 1, 2000, 1>}, {transform_indices = @transform_1, window_bounds = array<i64: 2000, 128>}, {pipeline_mode = #tpu.pipeline_mode<synchronous>, transform_indices = @transform_2, window_bounds = array<i64: 512, 128>}, {pipeline_mode = #tpu.pipeline_mode<synchronous>, transform_indices = @transform_3, window_bounds = array<i64: 512, 1>}]} {
    %eq3A = arith.constant 0 : i32
    %eq3A_0 = arith.cmpi eq, %arg0, %eq3A : i32
    %convert_element_type3A = arith.extui %eq3A_0 : i1 to i32
    %cond3A = arith.constant 0 : i32
    %cond3A_1 = arith.cmpi ne, %convert_element_type3A, %cond3A : i32
    scf.if %cond3A_1 {
      %broadcast_in_dim3A_30 = arith.constant 0.000000e+00 : f32
      %broadcast_in_dim3A_31 = vector.broadcast %broadcast_in_dim3A_30 : f32 to vector<512x128xf32>
      %swap3A_32 = arith.constant 0 : index
      %swap3A_33 = arith.constant 0 : index
      %swap3A_34 = vector.load %arg3[%swap3A_32, %swap3A_33] : memref<512x128xf32, #tpu.memory_space<vmem>>, vector<512x128xf32>
      tpu.vector_store %arg3[%swap3A_32, %swap3A_33], %broadcast_in_dim3A_31 {strides = array<i32>} : memref<512x128xf32, #tpu.memory_space<vmem>>, vector<512x128xf32>,
      %broadcast_in_dim3A_35 = arith.constant 0.000000e+00 : f32
      %broadcast_in_dim3A_36 = vector.broadcast %broadcast_in_dim3A_35 : f32 to vector<512x1xf32>
      %swap3A_37 = arith.constant 0 : index
      %swap3A_38 = arith.constant 0 : index
      %swap3A_39 = vector.load %arg4[%swap3A_37, %swap3A_38] : memref<512x1xf32, #tpu.memory_space<vmem>>, vector<512x1xf32>
      tpu.vector_store %arg4[%swap3A_37, %swap3A_38], %broadcast_in_dim3A_36 {strides = array<i32>} : memref<512x1xf32, #tpu.memory_space<vmem>>, vector<512x1xf32>,
    } else {
    }
    %get3A = arith.constant 0 : index
    %get3A_2 = arith.constant 0 : index
    %get3A_3 = arith.constant 0 : index
    %get3A_4 = vector.load %arg1[%get3A, %get3A_2, %get3A_3] : memref<1x2000x1xi32, #tpu.memory_space<vmem>>, vector<1x2000x1xi32>
    %get3A_5 = vector.shape_cast %get3A_4 : vector<1x2000x1xi32> to vector<2000x1xi32>
    %iota3A = tpu.iota {dimensions = array<i32: 1>} : vector<1x512xi32>
    %eq3A_6 = vector.broadcast %get3A_5 : vector<2000x1xi32> to vector<2000x512xi32>
    %eq3A_7 = vector.broadcast %iota3A : vector<1x512xi32> to vector<2000x512xi32>
    %eq3A_8 = arith.cmpi eq, %eq3A_6, %eq3A_7 : vector<2000x512xi32>
    %convert_element_type3A_9 = arith.extui %eq3A_8 : vector<2000x512xi1> to vector<2000x512xi32>
    %convert_element_type3A_10 = arith.sitofp %convert_element_type3A_9 : vector<2000x512xi32> to vector<2000x512xf32>
    %get3A_11 = arith.constant 0 : index
    %get3A_12 = arith.constant 0 : index
    %get3A_13 = vector.load %arg3[%get3A_11, %get3A_12] : memref<512x128xf32, #tpu.memory_space<vmem>>, vector<512x128xf32>
    %get3A_14 = arith.constant 0 : index
    %get3A_15 = arith.constant 0 : index
    %get3A_16 = vector.load %arg2[%get3A_14, %get3A_15] : memref<2000x128xf32, #tpu.memory_space<vmem>>, vector<2000x128xf32>
    %dot_general3A = arith.constant dense<0.000000e+00> : vector<512x128xf32>
    %dot_general3A_17 = tpu.matmul %convert_element_type3A_10, %get3A_16, %dot_general3A {dimension_numbers = #tpu.dot_dimension_numbers<[0], [0], [1], [1], [0, 1, 1, 1], [], []>, transpose_lhs_hint = false} : vector<2000x512xf32>, vector<2000x128xf32>, vector<512x128xf32> -> vector<512x128xf32>
    %add3A = arith.addf %get3A_13, %dot_general3A_17 : vector<512x128xf32>
    %swap3A = arith.constant 0 : index
    %swap3A_18 = arith.constant 0 : index
    %swap3A_19 = vector.load %arg3[%swap3A, %swap3A_18] : memref<512x128xf32, #tpu.memory_space<vmem>>, vector<512x128xf32>
    tpu.vector_store %arg3[%swap3A, %swap3A_18], %add3A {strides = array<i32>} : memref<512x128xf32, #tpu.memory_space<vmem>>, vector<512x128xf32>,
    %broadcast_in_dim3A = arith.constant 1.000000e+00 : f32
    %broadcast_in_dim3A_20 = vector.broadcast %broadcast_in_dim3A : f32 to vector<2000x1xf32>
    %get3A_21 = arith.constant 0 : index
    %get3A_22 = arith.constant 0 : index
    %get3A_23 = vector.load %arg4[%get3A_21, %get3A_22] : memref<512x1xf32, #tpu.memory_space<vmem>>, vector<512x1xf32>
    %dot_general3A_24 = arith.constant dense<0.000000e+00> : vector<512x1xf32>
    %dot_general3A_25 = tpu.matmul %convert_element_type3A_10, %broadcast_in_dim3A_20, %dot_general3A_24 {dimension_numbers = #tpu.dot_dimension_numbers<[0], [0], [1], [1], [0, 1, 1, 1], [], []>, transpose_lhs_hint = false} : vector<2000x512xf32>, vector<2000x1xf32>, vector<512x1xf32> -> vector<512x1xf32>
    %add3A_26 = arith.addf %get3A_23, %dot_general3A_25 : vector<512x1xf32>
    %swap3A_27 = arith.constant 0 : index
    %swap3A_28 = arith.constant 0 : index
    %swap3A_29 = vector.load %arg4[%swap3A_27, %swap3A_28] : memref<512x1xf32, #tpu.memory_space<vmem>>, vector<512x1xf32>
    tpu.vector_store %arg4[%swap3A_27, %swap3A_28], %add3A_26 {strides = array<i32>} : memref<512x1xf32, #tpu.memory_space<vmem>>, vector<512x1xf32>,
    return
  }
  func.func @transform_0(%arg0: i32) -> (i32, i32, i32) {
    %c0_i32 = arith.constant 0 : i32
    %c0_i32_0 = arith.constant 0 : i32
    %c0_i32_1 = arith.constant 0 : i32
    return %arg0, %c0_i32, %c0_i32_0 : i32, i32, i32
  }
  func.func @transform_1(%arg0: i32) -> (i32, i32) {
    %c0_i32 = arith.constant 0 : i32
    %c0_i32_0 = arith.constant 0 : i32
    return %arg0, %c0_i32 : i32, i32
  }
  func.func @transform_2(%arg0: i32) -> (i32, i32) {
    %c0_i32 = arith.constant 0 : i32
    %c0_i32_0 = arith.constant 0 : i32
    %c0_i32_1 = arith.constant 0 : i32
    return %c0_i32, %c0_i32_0 : i32, i32
  }
  func.func @transform_3(%arg0: i32) -> (i32, i32) {
    %c0_i32 = arith.constant 0 : i32
    %c0_i32_0 = arith.constant 0 : i32
    %c0_i32_1 = arith.constant 0 : i32
    return %c0_i32, %c0_i32_0 : i32, i32
  }
}

module attributes {stable_mosaic.version = 14 : i64} {
  func.func @_final_body(%arg0: memref<512x128xf32, #tpu.memory_space<vmem>>, %arg1: memref<512x128xf32, #tpu.memory_space<vmem>>, %arg2: memref<512x1xf32, #tpu.memory_space<vmem>>, %arg3: memref<32x512x16xf32, #tpu.memory_space<vmem>>, %arg4: memref<32x16x512xf32, #tpu.memory_space<vmem>>, %arg5: memref<272x128xf32, #tpu.memory_space<vmem>>, %arg6: memref<128xf32, #tpu.memory_space<vmem>>, %arg7: memref<128x128xf32, #tpu.memory_space<vmem>>, %arg8: memref<128xf32, #tpu.memory_space<vmem>>, %arg9: memref<128x128xf32, #tpu.memory_space<vmem>>, %arg10: memref<128xf32, #tpu.memory_space<vmem>>, %arg11: memref<512x128xf32, #tpu.memory_space<vmem>>) attributes {dimension_semantics = [], scalar_prefetch = 0 : i64, scratch_operands = 0 : i64, tpu.core_type = #tpu.core_type<tc>} {
    %get3A = arith.constant 0 : index
    %get3A_0 = arith.constant 0 : index
    %get3A_1 = vector.load %arg1[%get3A, %get3A_0] : memref<512x128xf32, #tpu.memory_space<vmem>>, vector<512x128xf32>
    %get3A_2 = arith.constant 0 : index
    %get3A_3 = arith.constant 0 : index
    %get3A_4 = vector.load %arg2[%get3A_2, %get3A_3] : memref<512x1xf32, #tpu.memory_space<vmem>>, vector<512x1xf32>
    %max3A = arith.constant 1.000000e+00 : f32
    %max3A_5 = vector.broadcast %max3A : f32 to vector<512x1xf32>
    %max3A_6 = arith.maximumf %get3A_4, %max3A_5 : vector<512x1xf32>
    %div3A = vector.broadcast %max3A_6 : vector<512x1xf32> to vector<512x128xf32>
    %div3A_7 = arith.divf %get3A_1, %div3A : vector<512x128xf32>
    %get3A_8 = arith.constant 0 : index
    %get3A_9 = arith.constant 0 : index
    %get3A_10 = arith.constant 0 : index
    %get3A_11 = vector.load %arg3[%get3A_8, %get3A_9, %get3A_10] : memref<32x512x16xf32, #tpu.memory_space<vmem>>, vector<32x512x16xf32>
    %reduce_sum3A = arith.constant dense<0.000000e+00> : vector<512x16xf32>
    %reduce_sum3A_12 = vector.multi_reduction <add>, %get3A_11, %reduce_sum3A [0] : vector<32x512x16xf32> to vector<512x16xf32>
    %get3A_13 = arith.constant 0 : index
    %get3A_14 = arith.constant 0 : index
    %get3A_15 = arith.constant 0 : index
    %get3A_16 = vector.load %arg4[%get3A_13, %get3A_14, %get3A_15] : memref<32x16x512xf32, #tpu.memory_space<vmem>>, vector<32x16x512xf32>
    %reduce_sum3A_17 = arith.constant dense<0.000000e+00> : vector<16x512xf32>
    %reduce_sum3A_18 = vector.multi_reduction <add>, %get3A_16, %reduce_sum3A_17 [0] : vector<32x16x512xf32> to vector<16x512xf32>
    %broadcast_in_dim3A = arith.constant 1.000000e+00 : f32
    %broadcast_in_dim3A_19 = vector.broadcast %broadcast_in_dim3A : f32 to vector<16x1xf32>
    %dot_general3A = arith.constant dense<0.000000e+00> : vector<512x1xf32>
    %dot_general3A_20 = tpu.matmul %reduce_sum3A_18, %broadcast_in_dim3A_19, %dot_general3A {dimension_numbers = #tpu.dot_dimension_numbers<[0], [0], [1], [1], [0, 1, 1, 1], [], []>, transpose_lhs_hint = false} : vector<16x512xf32>, vector<16x1xf32>, vector<512x1xf32> -> vector<512x1xf32>
    %max3A_21 = arith.constant 1.000000e+00 : f32
    %max3A_22 = vector.broadcast %max3A_21 : f32 to vector<512x1xf32>
    %max3A_23 = arith.maximumf %dot_general3A_20, %max3A_22 : vector<512x1xf32>
    %div3A_24 = vector.broadcast %max3A_23 : vector<512x1xf32> to vector<512x16xf32>
    %div3A_25 = arith.divf %reduce_sum3A_12, %div3A_24 : vector<512x16xf32>
    %get3A_26 = arith.constant 0 : index
    %get3A_27 = arith.constant 0 : index
    %get3A_28 = vector.load %arg5[%get3A_26, %get3A_27] : memref<272x128xf32, #tpu.memory_space<vmem>>, vector<272x128xf32>
    %get3A_29 = arith.constant 0 : index
    %get3A_30 = arith.constant 0 : index
    %get3A_31 = vector.load %arg0[%get3A_29, %get3A_30] : memref<512x128xf32, #tpu.memory_space<vmem>>, vector<512x128xf32>
    %slice3A = vector.extract_strided_slice %get3A_28 {offsets = [0, 0], sizes = [128, 128], strides = [1, 1]} : vector<272x128xf32> to vector<128x128xf32>
    %dot_general3A_32 = arith.constant dense<0.000000e+00> : vector<512x128xf32>
    %dot_general3A_33 = tpu.matmul %get3A_31, %slice3A, %dot_general3A_32 {dimension_numbers = #tpu.dot_dimension_numbers<[1], [0], [0], [1], [0, 0, 1, 1], [], []>, transpose_lhs_hint = false} : vector<512x128xf32>, vector<128x128xf32>, vector<512x128xf32> -> vector<512x128xf32>
    %slice3A_34 = vector.extract_strided_slice %get3A_28 {offsets = [128, 0], sizes = [128, 128], strides = [1, 1]} : vector<272x128xf32> to vector<128x128xf32>
    %dot_general3A_35 = arith.constant dense<0.000000e+00> : vector<512x128xf32>
    %dot_general3A_36 = tpu.matmul %div3A_7, %slice3A_34, %dot_general3A_35 {dimension_numbers = #tpu.dot_dimension_numbers<[1], [0], [0], [1], [0, 0, 1, 1], [], []>, transpose_lhs_hint = false} : vector<512x128xf32>, vector<128x128xf32>, vector<512x128xf32> -> vector<512x128xf32>
    %add3A = arith.addf %dot_general3A_33, %dot_general3A_36 : vector<512x128xf32>
    %slice3A_37 = vector.extract_strided_slice %get3A_28 {offsets = [256, 0], sizes = [16, 128], strides = [1, 1]} : vector<272x128xf32> to vector<16x128xf32>
    %dot_general3A_38 = arith.constant dense<0.000000e+00> : vector<512x128xf32>
    %dot_general3A_39 = tpu.matmul %div3A_25, %slice3A_37, %dot_general3A_38 {dimension_numbers = #tpu.dot_dimension_numbers<[1], [0], [0], [1], [0, 0, 1, 1], [], []>, transpose_lhs_hint = false} : vector<512x16xf32>, vector<16x128xf32>, vector<512x128xf32> -> vector<512x128xf32>
    %add3A_40 = arith.addf %add3A, %dot_general3A_39 : vector<512x128xf32>
    %get3A_41 = arith.constant 0 : index
    %get3A_42 = vector.load %arg6[%get3A_41] : memref<128xf32, #tpu.memory_space<vmem>>, vector<128xf32>
    %broadcast_in_dim3A_43 = vector.shape_cast %get3A_42 : vector<128xf32> to vector<1x128xf32>
    %add3A_44 = vector.broadcast %broadcast_in_dim3A_43 : vector<1x128xf32> to vector<512x128xf32>
    %add3A_45 = arith.addf %add3A_40, %add3A_44 : vector<512x128xf32>
    %max3A_46 = arith.constant 0.000000e+00 : f32
    %max3A_47 = vector.broadcast %max3A_46 : f32 to vector<512x128xf32>
    %max3A_48 = arith.maximumf %add3A_45, %max3A_47 : vector<512x128xf32>
    %get3A_49 = arith.constant 0 : index
    %get3A_50 = arith.constant 0 : index
    %get3A_51 = vector.load %arg7[%get3A_49, %get3A_50] : memref<128x128xf32, #tpu.memory_space<vmem>>, vector<128x128xf32>
    %dot_general3A_52 = arith.constant dense<0.000000e+00> : vector<512x128xf32>
    %dot_general3A_53 = tpu.matmul %max3A_48, %get3A_51, %dot_general3A_52 {dimension_numbers = #tpu.dot_dimension_numbers<[1], [0], [0], [1], [0, 0, 1, 1], [], []>, transpose_lhs_hint = false} : vector<512x128xf32>, vector<128x128xf32>, vector<512x128xf32> -> vector<512x128xf32>
    %get3A_54 = arith.constant 0 : index
    %get3A_55 = vector.load %arg8[%get3A_54] : memref<128xf32, #tpu.memory_space<vmem>>, vector<128xf32>
    %broadcast_in_dim3A_56 = vector.shape_cast %get3A_55 : vector<128xf32> to vector<1x128xf32>
    %add3A_57 = vector.broadcast %broadcast_in_dim3A_56 : vector<1x128xf32> to vector<512x128xf32>
    %add3A_58 = arith.addf %dot_general3A_53, %add3A_57 : vector<512x128xf32>
    %max3A_59 = arith.constant 0.000000e+00 : f32
    %max3A_60 = vector.broadcast %max3A_59 : f32 to vector<512x128xf32>
    %max3A_61 = arith.maximumf %add3A_58, %max3A_60 : vector<512x128xf32>
    %get3A_62 = arith.constant 0 : index
    %get3A_63 = arith.constant 0 : index
    %get3A_64 = vector.load %arg9[%get3A_62, %get3A_63] : memref<128x128xf32, #tpu.memory_space<vmem>>, vector<128x128xf32>
    %dot_general3A_65 = arith.constant dense<0.000000e+00> : vector<512x128xf32>
    %dot_general3A_66 = tpu.matmul %max3A_61, %get3A_64, %dot_general3A_65 {dimension_numbers = #tpu.dot_dimension_numbers<[1], [0], [0], [1], [0, 0, 1, 1], [], []>, transpose_lhs_hint = false} : vector<512x128xf32>, vector<128x128xf32>, vector<512x128xf32> -> vector<512x128xf32>
    %get3A_67 = arith.constant 0 : index
    %get3A_68 = vector.load %arg10[%get3A_67] : memref<128xf32, #tpu.memory_space<vmem>>, vector<128xf32>
    %broadcast_in_dim3A_69 = vector.shape_cast %get3A_68 : vector<128xf32> to vector<1x128xf32>
    %add3A_70 = vector.broadcast %broadcast_in_dim3A_69 : vector<1x128xf32> to vector<512x128xf32>
    %add3A_71 = arith.addf %dot_general3A_66, %add3A_70 : vector<512x128xf32>
    %swap3A = arith.constant 0 : index
    %swap3A_72 = arith.constant 0 : index
    %swap3A_73 = vector.load %arg11[%swap3A, %swap3A_72] : memref<512x128xf32, #tpu.memory_space<vmem>>, vector<512x128xf32>
    tpu.vector_store %arg11[%swap3A, %swap3A_72], %add3A_71 {strides = array<i32>} : memref<512x128xf32, #tpu.memory_space<vmem>>, vector<512x128xf32>,
    return
  }
}

</mosaic_0001>

<sc_bundles>
// kernel: kernel.5.cloned.1.call-start
scs
__scs_entry_jumppad:
0x0: {  	(pc) =	sbr.rel $0x88, $3  }
0x1: {  	(tag) =	ssettag $0x0;
	lr =	simm.s32 $0x1  }
0x2: {  	[smem:$0x3F96] =	sst lr;
	_ =	strace $0xD0000000  }
0x3: {  	_ = 	snop  }
0x4: {  	_ = 	snop  }
0x5: {  	_ = 	snop  }
0x6: {  	_ = 	snop  }
0x7: {  	_ = 	snop  }
__scs_overlays_trampoline_lowered:
0x8: {  	[smem:$0x3FA5] =	sst s0  }
0x9: {  	[smem:$0x3FA6] =	sst s1  }
0xa: {  	[smem:$0x3FA7] =	sst s2  }
0xb: {  	[smem:$0x3FA8] =	sst s3  }
0xc: {  	[smem:$0x3FA9] =	sst s4  }
0xd: {  	[smem:$0x3FAA] =	sst s5  }
0xe: {  	[smem:$0x3FAB] =	sst s6  }
0xf: {  	[smem:$0x3FAC] =	sst s7  }
0x10: {  	[smem:$0x3FAD] =	sst s8  }
0x11: {  	[smem:$0x3FAE] =	sst s9;
	s0 =	simm.s32 @!p0 $0x0  }
0x12: {  	s1 =	sld [smem:$0x3F94];
	s0 =	simm.s32 @p0 $0x1  }
0x13: {  	[smem:$0x3FAF] =	sst s0;
	s0 =	simm.s32 @!p1 $0x0  }
0x14: {  	s2 =	sld [smem:$0x3F93];
	s0 =	simm.s32 @p1 $0x1  }
0x15: {  	[smem:$0x3FB0] =	sst s0;
	s0 =	simm.s32 @!p2 $0x0  }
0x16: {  	s3 =	sld [smem:$0x3FDB];
	s0 =	simm.s32 @p2 $0x1  }
0x17: {  	s4 =	simm.s32 $0x1BF5;
	[smem:$0x3FB2] =	sst s0  }
0x18: {  	s0 =	sld [smem:$0x3F95];
	_ =	swait.ge [sflag:s4], $0x0  }
0x19: {  	s7 =	sld [smem:$0x3F96]  }
0x1a: {  	s8 =	sadd.s32 $0xFFFFE003, lr  }
0x1b: {  	s9 =	sadd.s32 $0xFFFFFEF7, lr;
	s5 =	simm.s32 $0xFFFFFFFF;
	p2 =	slt.u32 s8, $0xFFFFF086  }
0x1c: {  	p1 =	slt.u32 s9, $0xF7A;
	s5 =	simm.s32 @!p2 $0x0  }
0x1d: {  	s5 =	simm.s32 @p1 $0x1;
	p0 =	seq.s32 s7, s2  }
0x1e: {  	s7 =	smul.u32 @!p0 $0xF7A, s2;
	p2 =	seq.s32 @!p0 s5, $0x0  }
0x1f: {  	s9 =	smul.u32 $0xF7A, s1;
	s8 =	simm.s32 @!p0 $0x1BF5;
	p2 =	por !p2, p0  }
0x20: {  	[sflag:s8] =	ssyncset.s32 @!p0 $0xFFFFF086;
	s6 =	sadd.s32 @!p0 s3, s7;
	s7 =	simm.s32 @!p0 $0x108  }
0x21: {  	s3 =	sadd.s32 s3, s9;
	s6 =	sadd.s32 @!p0 $0x88, s6;
	s7 =	simm.s32 @p2 $0x1082  }
0x22: {  	[simem:s7], [sflag:s8] =	dma.local @!p0 [hbm:s6], $0xF7A  }
0x23: {  	s9 =	sor.u32 $0xD0000000, s2;
	s6 =	simm.s32 $0x108;
	_ =	swait.ge @!p0 [sflag:s8], $0x0  }
0x24: {  	s3 =	sadd.s32 $0x88, s3;
	s6 =	simm.s32 @!p1 $0x1082;
	[sflag:s4] =	ssyncset.s32 $0xFFFFF086  }
0x25: {  	[simem:s6], [sflag:s4] =	dma.local [hbm:s3], $0xF7A  }
0x26: {  	[smem:$0x3F96] =	sst s1;
	(tag) =	ssettag s2;
	_ =	strace s9  }
0x27: {  	s1 =	sld [smem:$0x3FA6]  }
0x28: {  	s2 =	sld [smem:$0x3FA7]  }
0x29: {  	s4 =	sld [smem:$0x3FA9]  }
0x2a: {  	p0 =	seq.s32 s5, $0x0;
	s5 =	sld [smem:$0x3FAA]  }
0x2b: {  	s6 =	sld [smem:$0x3FAB]  }
0x2c: {  	s7 =	sld [smem:$0x3FAC]  }
0x2d: {  	s3 =	simm.s32 $0x108;
	s8 =	sld [smem:$0x3FAD]  }
0x2e: {  	s3 =	simm.s32 @!p0 $0x1082;
	s9 =	sld [smem:$0x3FAE]  }
0x2f: {  	lr =	sadd.s32 s0, s3;
	s0 =	sld [smem:$0x3FA5]  }
0x30: {  	s3 =	sld [smem:$0x3FA8]  }
0x31: {  	[smem:$0x3FB1] =	sst s10  }
0x32: {  	s10 =	sld [smem:$0x3FAF];
	_ =	sdelay $0x3  }
0x33: {  	p0 =	seq.s32 s10, $0x1;
	s10 =	sld [smem:$0x3FB1];
	_ =	sdelay $0x3  }
0x34: {  	[smem:$0x3FB1] =	sst s10  }
0x35: {  	s10 =	sld [smem:$0x3FB0];
	_ =	sdelay $0x3  }
0x36: {  	p1 =	seq.s32 s10, $0x1;
	s10 =	sld [smem:$0x3FB1];
	_ =	sdelay $0x3  }
0x37: {  	[smem:$0x3FB1] =	sst s10  }
0x38: {  	s10 =	sld [smem:$0x3FB2]  }
0x39: {  	_ = 	snop;
	(pc) =	sbr.ind lr, $3  }
0x3a: {  	_ = 	snop  }
0x3b: {  	_ = 	snop  }
0x3c: {  	p2 =	seq.s32 s10, $0x1;
	s10 =	sld [smem:$0x3FB1]  }
0x3d: {  	_ =	shalt  }
0x3e: {  	_ =	shalt  }
0x3f: {  	_ =	shalt  }
0x40: {  	_ =	shalt  }
0x41: {  	_ =	shalt  }
0x42: {  	_ =	shalt  }
0x43: {  	_ =	shalt  }
0x44: {  	_ =	shalt  }
0x45: {  	_ =	shalt  }
0x46: {  	_ =	shalt  }
0x47: {  	_ =	shalt  }
0x48: {  	_ =	shalt  }
0x49: {  	_ =	shalt  }
0x4a: {  	_ =	shalt  }
0x4b: {  	_ =	shalt  }
0x4c: {  	_ =	shalt  }
0x4d: {  	_ =	shalt  }
0x4e: {  	_ =	shalt  }
0x4f: {  	_ =	shalt  }
0x50: {  	_ =	shalt  }
0x51: {  	_ =	shalt  }
0x52: {  	_ =	shalt  }
0x53: {  	_ =	shalt  }
0x54: {  	_ =	shalt  }
0x55: {  	_ =	shalt  }
0x56: {  	_ =	shalt  }
0x57: {  	_ =	shalt  }
0x58: {  	_ =	shalt  }
0x59: {  	_ =	shalt  }
0x5a: {  	_ =	shalt  }
0x5b: {  	_ =	shalt  }
0x5c: {  	_ =	shalt  }
0x5d: {  	_ =	shalt  }
0x5e: {  	_ =	shalt  }
0x5f: {  	_ =	shalt  }
0x60: {  	_ =	shalt  }
0x61: {  	_ =	shalt  }
0x62: {  	_ =	shalt  }
0x63: {  	_ =	shalt  }
0x64: {  	_ =	shalt  }
0x65: {  	_ =	shalt  }
0x66: {  	_ =	shalt  }
0x67: {  	_ =	shalt  }
0x68: {  	_ =	shalt  }
0x69: {  	_ =	shalt  }
0x6a: {  	_ =	shalt  }
0x6b: {  	_ =	shalt  }
0x6c: {  	_ =	shalt  }
0x6d: {  	_ =	shalt  }
0x6e: {  	_ =	shalt  }
0x6f: {  	_ =	shalt  }
0x70: {  	_ =	shalt  }
0x71: {  	_ =	shalt  }
0x72: {  	_ =	shalt  }
0x73: {  	_ =	shalt  }
0x74: {  	_ =	shalt  }
0x75: {  	_ =	shalt  }
0x76: {  	_ =	shalt  }
0x77: {  	_ =	shalt  }
0x78: {  	_ =	shalt  }
0x79: {  	_ =	shalt  }
0x7a: {  	_ =	shalt  }
0x7b: {  	_ =	shalt  }
0x7c: {  	_ =	shalt  }
0x7d: {  	_ =	shalt  }
0x7e: {  	_ =	shalt  }
0x7f: {  	_ =	shalt  }
0x80: {  	_ =	shalt  }
0x81: {  	_ =	shalt  }
0x82: {  	_ =	shalt  }
0x83: {  	_ =	shalt  }
0x84: {  	_ =	shalt  }
0x85: {  	_ =	shalt  }
0x86: {  	_ =	shalt  }
0x87: {  	_ =	shalt  }
.Lfunc_end0:
.L_simem_size_0:
called_computation_lowered:
.L_overlay_start_0:
0x88: {  	s2 =	sld [smem:$0x3FD9]  }
0x89: {  	s3 =	sld [smem:$0x3FFE];
	_ =	sdelay $0x1  }
0x8a: {  	s1 =	srdreg.scid  }
0x8b: {  	s0 =	sand.u32 $0x1, s1  }
0x8c: {  	s17 =	sshll.u32 s0, $0xA;
	s2 =	sadd.s32 s3, s2  }
0x8d: {  	s2 =	sadd.s32 s2, s17  }
0x8e: {  	[smem:$0x3FBD] =	sst s2  }
0x8f: {  	_ = 	snop  }
0x90: {  	s2 =	sld [smem:$0x3FD0];
	(tm) =	ssettm $0x1  }
0x91: {  	s18 =	sld [smem:$0x3FFB];
	_ =	sdelay $0x3  }
0x92: {  	_ =	strace s18  }
0x93: {  	s3 =	sld [smem:$0x3FFC];
	_ =	sdelay $0x3  }
0x94: {  	_ =	strace s3  }
0x95: {  	s3 =	sld [smem:$0x3FFD];
	_ =	sdelay $0x3  }
0x96: {  	_ =	strace s3  }
0x97: {  	_ =	strace $0x8FFFFFFF  }
0x98: {  	s19 =	sld [smem:$0x3FDB];
	_ =	sdelay $0x1  }
0x99: {  	s4 =	simm.s32 $_scs_section_size  }
0x9a: {  	s5 =	simm.s32 $_size__tile_overlayer_lowered;
	s6 =	simm.s32 $_tile_overlayer_lowered  }
0x9b: {  	s22 =	simm.s32 $0x1BFF;
	s21 =	sshll.u32 s6, $0x1;
	s3 =	sadd.s32 s4, s19  }
0x9c: {  	s7 =	simm.s32 $0x0;
	s20 =	sshll.u32 s5, $0x1;
	s5 =	sadd.s32 s21, s3  }
0x9d: {  	[timem:s7], [sflag:s22] =	dma.local [hbm:s5], s20  }
0x9e: {  	_ =	swait.ge [sflag:s22], s20  }
0x9f: {  	s4 =	ssub.s32 $0x0, s20;
	[sflag:s22] =	ssyncset.done $0x0  }
0xa0: {  	[sflag:s22] =	ssyncadd.s32 s4;
	_ =	sdelay $0x1  }
0xa1: {  	s23 =	simm.s32 $0x1B8B  }
0xa2: {  	_ =	swait.ge [sflag:s23], $0x1  }
0xa3: {  	[sflag:s23] =	ssyncset.done $0x0  }
0xa4: {  	s25 =	simm.s32 $0x1B8E;
	s24 =	sld [smem:$0x3FFE];
	[sflag:s23] =	ssyncadd.s32 $0xFFFFFFFF  }
0xa5: {  	s26 =	simm.s32 $execute0_lowered;
	[smem:$0x3FD2] =	sst s25  }
0xa6: {  	s5 =	sshll.u32 s26, $0x1;
	_ =	strace $0x80000046;
	[dreg:$0x1] =	wrdreg $0xFFFFFFFF  }
0xa7: {  	s28 =	simm.s32 $_size_execute0_lowered;
	s3 =	sadd.s32 s3, s5;
	[dreg:$0x0] =	wrdreg $0x0  }
0xa8: {  	s5 =	sshll.u32 s28, $0x1;
	[dreg:$0x2] =	wrdreg s3  }
0xa9: {  	[dreg:$0x3] =	wrdreg s5  }
0xaa: {  	[dreg:$0x4] =	wrdreg $0xC0  }
0xab: {  	_ =	task [dreg:s7], $0x5FFFF  }
0xac: {  	[dreg:$0x1] =	wrdreg $0xFFFFFFFF  }
0xad: {  	[dreg:$0x0] =	wrdreg $0x60  }
0xae: {  	[dreg:$0x2] =	wrdreg s24  }
0xaf: {  	[dreg:$0x3] =	wrdreg s2  }
0xb0: {  	[dreg:$0x4] =	wrdreg $0x9  }
0xb1: {  	_ =	task.clear_ibuf [dreg:s7], $0x5FFFF;
	_ =	strace $0x90000046  }
0xb2: {  	s29 =	simm.s32 $0x9;
	_ =	strace $0x80000048  }
0xb3: {  	_ =	swait.ge [sflag:s29], $0x1  }
0xb4: {  	[sflag:s29] =	ssyncadd.s32 $0xFFFFFFFF  }
0xb5: {  	_ =	strace $0x90000048  }
0xb6: {  	_ =	sfence  }
0xb7: {  	s30 =	sld [smem:$0x0];
	_ =	sdelay $0x2  }
0xb8: {  	s31 =	sshll.u32 s1, $0xD;
	s1 =	sshrl.u32 s1, $0x2  }
0xb9: {  	s3 =	sand.u32 $0x4000, s31;
	s1 =	sadd.s32 s1, s30  }
0xba: {  	s0 =	sor.u32 s3, s0;
	s1 =	sshll.u32 s1, $0x11  }
0xbb: {  	s0 =	sor.u32 s1, s0  }
0xbc: {  	s0 =	sadd.s32 $0x8F2B, s0  }
0xbd: {  	[sflag:s0] =	ssyncadd.remote.s32 $0x1  }
0xbe: {  	_ =	sfence.sel $0xFFFF  }
0xbf: {  	[dreg:$0x0] =	wrdreg $0xFFFFFFFF;
	(pc) =	sbr.abs _section_cstart, $3  }
0xc0: {  	[dreg:$0x1] =	wrdreg $0xFFFFFFFF  }
0xc1: {  	_ =	task.clear_ibuf [dreg:s7], $0x2FFFF;
	_ =	strace $0x9FFFFFFF  }
0xc2: {  	(tm) =	ssettm $0x7FFFFFFF  }
0xc3: {  	_ =	shalt  }
tec
execute0_lowered:
.L_overlay_start_1:
0x0: {  	(tag) =	ssettag $0x1  }
0x1: {  	s6 =	rddreg [dreg:$0x0]  }
0x2: {  	s2 =	rddreg [dreg:$0x1]  }
0x3: {  	s0 =	rddreg [dreg:$0x2]  }
0x4: {  	s3 =	simm.s32 $0x0;
	s4 =	srdreg.scid;
	s1 =	stileid.u32  }
0x5: {  	s12 =	simm.s32 $0xCB20;
	s13 =	simm.s32 $0x14820;
	s14 =	simm.s32 $0x16820  }
0x6: {  	s15 =	simm.s32 $0x0;
	[smem:$0x7FF] =	sst s3;
	s5 =	sand.u32 $0x1, s4  }
0x7: {  	v0 =	vimm.f32 $0.0e+00;
	v18 =	vimm.s32 $0x1;
	v19 =	vimm.s32 $0x0;
	s7 =	sshll.u32 s1, $0x1;
	s4 =	sadd.s32 $0x3800, s6;
	_ =	strace $0x80000047  }
0x8: {  	v4 =	vlaneseq.u32;
	v5 =	vimm.s32 $0x2;
	v16 =	vimm.s32 $0x3;
	s7 =	sor.u32 s5, s7;
	s10 =	ssub.s32 $0x2, s5;
	s5 =	sadd.s32 $0x186D800, s6  }
0x9: {  	v17 =	vimm.s32 $0x5;
	v49 =	vimm.s32 $0x6;
	v51 =	vimm.s32 $0x7;
	s8 =	sshll.u32 s7, $0xA;
	s9 =	smul.u32 $0x402, s7;
	s11 =	sshrl.u32 s10, $0x1  }
0xa: {  	v52 =	vimm.s32 $0x8;
	v53 =	vimm.s32 $0x9;
	v50 =	vmul.u32 $0x201, v4;
	s8 =	sadd.s32 s8, s6;
	s10 =	ssub.s32 s10, s11;
	s11 =	simm.s32 $0xC350  }
0xb: {  	v13 =	vimm.s32 $0xB;
	v14 =	vimm.s32 $0xC;
	v15 =	vimm.s32 $0xD;
	s9 =	sadd.s32 s9, s6;
	s6 =	smul.u32 $0xC350, s7;
	s7 =	sadd.s32 $0x34600, s8  }
0xc: {  	v22 =	vimm.s32 $0xE;
	v24 =	vimm.s32 $0xF;
	v58 =	vimm.f32 $1.000000000e+00;
	[tilespmem:$0x1FFF0] =	vst v50;
	s8 =	sadd.s32 $0x3C600, s9;
	s9 =	smax.u32 s10, $0x1;
	s10 =	simm.s32 $0x1  }
.LBB2_1:
0xd: {  	[tilespmem:s3], [sflag:$0x1] =	stream.linear.gather [hbm4b:s2+s3], $0xC350, $0x38;
	[tilespmem:$0x18830] =	vst v63  }
0xe: {  	_ =	swait.ge [sflag:s10], $0xC350  }
0xf: {  	[sflag:s10] =	ssyncset.done $0x0  }
0x10: {  	s16 =	simm.s32 $0x40;
	s17 =	simm.s32 $0x0;
	[sflag:s10] =	ssyncadd.s32 $0xFFFF3CB0  }
.LBB2_2:
0x11: {  	p0 =	sne.s32 s16, $0x7FC0;
	[tilespmem:s17+$0x14820] =	vst v0;
	s17 =	smov.u32 s16;
	s16 =	sadd.s32 $0x40, s16  }
.Ltmp0:
0x12: {  	(pc) =	sbr.rel @p0 .LBB2_2-.Ltmp0, $2  }
0x13: {  	_ =	sdelay $0x2  }
0x14: {  	s17 =	sshra.s32 s17, $0x2  }
0x15: {  	[tilespmem:s17+$0x14820] =	vst v0;
	s16 =	simm.s32 $0x0;
	s17 =	simm.s32 $0x40;
	s18 =	simm.s32 $0x0  }
.LBB2_4:
0x16: {  	p0 =	sne.s32 s17, $0x8000;
	[tilespmem:s18+$0x16820] =	vst v0;
	s18 =	smov.u32 s17;
	s17 =	sadd.s32 $0x40, s17  }
.Ltmp1:
0x17: {  	(pc) =	sbr.rel @p0 .LBB2_4-.Ltmp1, $2  }
0x18: {  	_ =	sdelay $0x2  }
0x19: {  	s18 =	sshra.s32 s18, $0x2  }
0x1a: {  	[tilespmem:s18+$0x16820] =	vst v0  }
.LBB2_6:
0x1b: {  	s17 =	smul.u32 $0x7D0, s16;
	_ =	sdelay $0x1  }
0x1c: {  	s17 =	sadd.s32 s6, s17  }
0x1d: {  	s18 =	sshrl.u32 s17, $0x3  }
0x1e: {  	s18 =	sadd.s32 s4, s18  }
0x1f: {  	[tilespmem:s11], [sflag:$0x1] =	stream.linear.gather [hbm4b:s18+s3], $0x7D0, $0x38;
	[tilespmem:$0x18830] =	vst v63  }
0x20: {  	_ =	swait.ge [sflag:s10], $0x7D0  }
0x21: {  	s17 =	sshll.u32 s17, $0x1;
	[sflag:s10] =	ssyncset.done $0x0  }
0x22: {  	s17 =	sadd.s32 s5, s17;
	[sflag:s10] =	ssyncadd.s32 $0xFFFFF830  }
0x23: {  	[tilespmem:s12], [sflag:$0x1] =	stream.linear.gather [hbm4b:s17+s3], $0x7D00, $0x38;
	[tilespmem:$0x18830] =	vst v63  }
0x24: {  	_ =	swait.ge [sflag:s10], $0x7D00  }
0x25: {  	[sflag:s10] =	ssyncset.done $0x0  }
0x26: {  	s30 =	simm.s32 $0xC360;
	[sflag:s10] =	ssyncadd.s32 $0xFFFF8300  }
0x27: {  	v0 =	vld [tilespmem:s30+$0x0];
	_ =	sdelay $0x4  }
0x28: {  	v1 =	vshra.s32 v0, $0x1;
	_ =	sdelay $0x4  }
0x29: {  	v1 =	vld.idx.msk [tilespmem:v1+s3+$0x0], $0xffff;
	_ =	sdelay $0x2  }
0x2a: {  	v0 =	vshll.u32 v0, $0x4  }
0x2b: {  	v0 =	vand.u32 $0x10, v0  }
0x2c: {  	v0 =	vshra.s32 v1, v0  }
0x2d: {  	v54 =	vand.u32 $0xFFFF, v0  }
0x2e: {  	v0 =	vshll.u32 v54, $0x4  }
0x2f: {  	v1 =	vperm.xlane v0, v19  }
0x30: {  	s19 =	simm.s32 $0xCC20  }
0x31: {  	v2 =	vld [tilespmem:s19+$0x0];
	v1 =	vadd.s32 v4, v1;
	_ =	sdelay $0x3  }
0x32: {  	v3 =	vperm.xlane v0, v18  }
0x33: {  	[tilespmem:v1+s13+$0x0] =	vst.idx.add.f32.msk $0xffff, v2  }
0x34: {  	v1 =	vadd.s32 v4, v3;
	v2 =	vld [tilespmem:s19+$0x10];
	_ =	sdelay $0x3  }
0x35: {  	v5 =	vperm.xlane v0, v5;
	v3 =	vld [tilespmem:s30+$0xFFFFFFF0]  }
0x36: {  	[tilespmem:v1+s13+$0x0] =	vst.idx.add.f32.msk $0xffff, v2  }
0x37: {  	v1 =	vadd.s32 v4, v5;
	v2 =	vld [tilespmem:s19+$0x20];
	_ =	sdelay $0x2  }
0x38: {  	v6 =	vshra.s32 v3, $0x1  }
0x39: {  	v5 =	vperm.xlane v0, v16  }
0x3a: {  	[tilespmem:v1+s13+$0x0] =	vst.idx.add.f32.msk $0xffff, v2  }
0x3b: {  	v1 =	vadd.s32 v4, v5;
	v2 =	vld [tilespmem:s19+$0x30];
	_ =	sdelay $0x1  }
0x3c: {  	v5 =	vld.idx.msk [tilespmem:v6+s3+$0x0], $0xffff  }
0x3d: {  	v55 =	vimm.s32 $0x4  }
0x3e: {  	v6 =	vperm.xlane v0, v55  }
0x3f: {  	[tilespmem:v1+s13+$0x0] =	vst.idx.add.f32.msk $0xffff, v2;
	v2 =	vshll.u32 v3, $0x4  }
0x40: {  	v6 =	vadd.s32 v4, v6;
	v1 =	vld [tilespmem:s19+$0x40];
	v2 =	vand.u32 $0x10, v2  }
0x41: {  	v2 =	vshra.s32 v5, v2  }
0x42: {  	v2 =	vand.u32 $0xFFFF, v2  }
0x43: {  	s31 =	simm.s32 $0xC380;
	[tilespmem:$0x1FFD0] =	vst v2  }
0x44: {  	v3 =	vperm.xlane v0, v17;
	v5 =	vld [tilespmem:s31+$0x0]  }
0x45: {  	v2 =	vshll.u32 v2, $0x4;
	[tilespmem:v6+s13+$0x0] =	vst.idx.add.f32.msk $0xffff, v1  }
0x46: {  	v3 =	vadd.s32 v4, v3;
	v1 =	vperm.xlane v2, v19;
	v6 =	vld [tilespmem:s19+$0x50];
	_ =	sdelay $0x1  }
0x47: {  	v7 =	vld [tilespmem:s19+$0xFFFFFF00];
	v1 =	vadd.s32 v4, v1  }
0x48: {  	v8 =	vshra.s32 v5, $0x1  }
0x49: {  	v9 =	vperm.xlane v0, v49  }
0x4a: {  	[tilespmem:v3+s13+$0x0] =	vst.idx.add.f32.msk $0xffff, v6  }
0x4b: {  	v6 =	vadd.s32 v4, v9;
	v3 =	vld [tilespmem:s19+$0x60]  }
0x4c: {  	v9 =	vperm.xlane v2, v18;
	[tilespmem:v1+s13+$0x0] =	vst.idx.add.f32.msk $0xffff, v7  }
0x4d: {  	v1 =	vld.idx.msk [tilespmem:v8+s3+$0x0], $0xffff  }
0x4e: {  	v7 =	vadd.s32 v4, v9;
	v8 =	vld [tilespmem:s19+$0xFFFFFF10]  }
0x4f: {  	v9 =	vperm.xlane v0, v51  }
0x50: {  	v5 =	vshll.u32 v5, $0x4;
	[tilespmem:v6+s13+$0x0] =	vst.idx.add.f32.msk $0xffff, v3  }
0x51: {  	v10 =	vimm.s32 $0x2;
	v3 =	vand.u32 $0x10, v5;
	v6 =	vadd.s32 v4, v9;
	v5 =	vld [tilespmem:s19+$0x70]  }
0x52: {  	v9 =	vperm.xlane v2, v10;
	v1 =	vshra.s32 v1, v3  }
0x53: {  	[tilespmem:v7+s13+$0x0] =	vst.idx.add.f32.msk $0xffff, v8;
	v1 =	vand.u32 $0xFFFF, v1  }
0x54: {  	v3 =	vadd.s32 v4, v9;
	v7 =	vld [tilespmem:s19+$0xFFFFFF20];
	[tilespmem:$0x1FF70] =	vst v1;
	v1 =	vshll.u32 v1, $0x4  }
0x55: {  	v8 =	vld [tilespmem:s31+$0xFFFFFFF0];
	v9 =	vperm.xlane v1, v19  }
0x56: {  	s17 =	simm.s32 $0xCE20;
	v10 =	vperm.xlane v0, v52;
	[tilespmem:v6+s13+$0x0] =	vst.idx.add.f32.msk $0xffff, v5  }
0x57: {  	v5 =	vld [tilespmem:s17+$0x0];
	v6 =	vadd.s32 v4, v9  }
0x58: {  	v10 =	vadd.s32 v4, v10;
	v9 =	vperm.xlane v2, v16;
	v11 =	vld [tilespmem:s19+$0x80]  }
0x59: {  	[tilespmem:v3+s13+$0x0] =	vst.idx.add.f32.msk $0xffff, v7  }
0x5a: {  	v3 =	vld [tilespmem:s19+$0xFFFFFF30];
	v7 =	vadd.s32 v4, v9;
	_ =	sdelay $0x1  }
0x5b: {  	[tilespmem:v6+s13+$0x0] =	vst.idx.add.f32.msk $0xffff, v5  }
0x5c: {  	v5 =	vperm.xlane v0, v53;
	[tilespmem:v10+s13+$0x0] =	vst.idx.add.f32.msk $0xffff, v11  }
0x5d: {  	v9 =	vperm.xlane v1, v18;
	v6 =	vshra.s32 v8, $0x1;
	v10 =	vld [tilespmem:s19+$0x90]  }
0x5e: {  	v5 =	vadd.s32 v4, v5;
	[tilespmem:v7+s13+$0x0] =	vst.idx.add.f32.msk $0xffff, v3  }
0x5f: {  	v11 =	vperm.xlane v2, v55;
	v3 =	vadd.s32 v4, v9;
	v7 =	vld [tilespmem:s17+$0x10];
	_ =	sdelay $0x1  }
0x60: {  	v11 =	vadd.s32 v4, v11;
	v9 =	vld [tilespmem:s19+$0xFFFFFF40]  }
0x61: {  	v12 =	vimm.s32 $0xA;
	v6 =	vld.idx.msk [tilespmem:v6+s3+$0x0], $0xffff  }
0x62: {  	v12 =	vperm.xlane v0, v12;
	[tilespmem:v5+s13+$0x0] =	vst.idx.add.f32.msk $0xffff, v10  }
0x63: {  	[tilespmem:v3+s13+$0x0] =	vst.idx.add.f32.msk $0xffff, v7  }
0x64: {  	v10 =	vadd.s32 v4, v12;
	v12 =	vperm.xlane v2, v17;
	v5 =	vld [tilespmem:s19+$0xA0]  }
0x65: {  	v20 =	vimm.s32 $0x2;
	[tilespmem:v11+s13+$0x0] =	vst.idx.add.f32.msk $0xffff, v9  }
0x66: {  	v3 =	vperm.xlane v1, v20;
	v7 =	vld [tilespmem:s19+$0xFFFFFF50];
	v9 =	vadd.s32 v4, v12  }
0x67: {  	v11 =	vld [tilespmem:s17+$0x20]  }
0x68: {  	v12 =	vperm.xlane v0, v13;
	v3 =	vadd.s32 v4, v3;
	v13 =	vld [tilespmem:s17+$0xFFFFFF00]  }
0x69: {  	[tilespmem:v10+s13+$0x0] =	vst.idx.add.f32.msk $0xffff, v5  }
0x6a: {  	v12 =	vadd.s32 v4, v12;
	v10 =	vperm.xlane v2, v49;
	v5 =	vld [tilespmem:s19+$0xB0]  }
0x6b: {  	[tilespmem:v9+s13+$0x0] =	vst.idx.add.f32.msk $0xffff, v7  }
0x6c: {  	v7 =	vperm.xlane v1, v16;
	v9 =	vld [tilespmem:s19+$0xFFFFFF60];
	v10 =	vadd.s32 v4, v10  }
0x6d: {  	[tilespmem:v3+s13+$0x0] =	vst.idx.add.f32.msk $0xffff, v11  }
0x6e: {  	v3 =	vperm.xlane v0, v14;
	v11 =	vld [tilespmem:s17+$0x30];
	v7 =	vadd.s32 v4, v7  }
0x6f: {  	[tilespmem:v12+s13+$0x0] =	vst.idx.add.f32.msk $0xffff, v5  }
0x70: {  	v3 =	vadd.s32 v4, v3;
	v12 =	vld [tilespmem:s19+$0xC0]  }
0x71: {  	v5 =	vperm.xlane v2, v51;
	[tilespmem:v10+s13+$0x0] =	vst.idx.add.f32.msk $0xffff, v9  }
0x72: {  	v9 =	vld [tilespmem:s19+$0xFFFFFF70]  }
0x73: {  	v5 =	vadd.s32 v4, v5;
	[tilespmem:v7+s13+$0x0] =	vst.idx.add.f32.msk $0xffff, v11  }
0x74: {  	v7 =	vperm.xlane v1, v55;
	v10 =	vld [tilespmem:s17+$0x40]  }
0x75: {  	s18 =	simm.s32 $0xC3A0;
	[tilespmem:v3+s13+$0x0] =	vst.idx.add.f32.msk $0xffff, v12  }
0x76: {  	v7 =	vadd.s32 v4, v7;
	v3 =	vperm.xlane v0, v15;
	v12 =	vld [tilespmem:s18+$0x0]  }
0x77: {  	v11 =	vld [tilespmem:s19+$0xD0]  }
0x78: {  	[tilespmem:v5+s13+$0x0] =	vst.idx.add.f32.msk $0xffff, v9;
	v5 =	vperm.xlane v2, v52;
	v3 =	vadd.s32 v4, v3  }
0x79: {  	v9 =	vld [tilespmem:s18+$0xFFFFFFF0]  }
0x7a: {  	v8 =	vshll.u32 v8, $0x4;
	v15 =	vld [tilespmem:s19+$0xFFFFFF80];
	v5 =	vadd.s32 v4, v5  }
0x7b: {  	v8 =	vand.u32 $0x10, v8;
	v14 =	vperm.xlane v1, v17;
	[tilespmem:v7+s13+$0x0] =	vst.idx.add.f32.msk $0xffff, v10  }
0x7c: {  	v23 =	vimm.s32 $0xA;
	v6 =	vshra.s32 v6, v8;
	v7 =	vperm.xlane v0, v22;
	v10 =	vld [tilespmem:s17+$0x50]  }
0x7d: {  	v25 =	vimm.s32 $0xB;
	v8 =	vand.u32 $0xFFFF, v6;
	v14 =	vadd.s32 v4, v14;
	[tilespmem:v3+s13+$0x0] =	vst.idx.add.f32.msk $0xffff, v11  }
0x7e: {  	v47 =	vimm.s32 $0xC;
	v7 =	vadd.s32 v4, v7;
	v3 =	vperm.xlane v2, v53;
	v6 =	vld [tilespmem:s19+$0xE0];
	[tilespmem:$0x1FF80] =	vst v8  }
0x7f: {  	v48 =	vimm.s32 $0xD;
	v62 =	vperm.xlane v2, v25;
	v25 =	vperm.xlane v2, v47;
	[tilespmem:v5+s13+$0x0] =	vst.idx.add.f32.msk $0xffff, v15  }
0x80: {  	v43 =	vperm.xlane v2, v48;
	v20 =	vimm.s32 $0xE;
	v3 =	vadd.s32 v4, v3;
	v61 =	vld [tilespmem:s19+$0xFFFFFF90]  }
0x81: {  	v57 =	vperm.xlane v2, v20;
	v8 =	vshll.u32 v8, $0x4;
	v5 =	vperm.xlane v2, v23  }
0x82: {  	v11 =	vshra.s32 v9, $0x1;
	v15 =	vperm.xlane v8, v19;
	[tilespmem:v14+s13+$0x0] =	vst.idx.add.f32.msk $0xffff, v10;
	v2 =	vperm.xlane v2, v24  }
0x83: {  	v14 =	vperm.xlane v1, v49;
	[tilespmem:v7+s13+$0x0] =	vst.idx.add.f32.msk $0xffff, v6  }
0x84: {  	v10 =	vadd.s32 v4, v15;
	v15 =	vld [tilespmem:s17+$0x60];
	[tilespmem:$0x1FFC0] =	vst v2  }
0x85: {  	v7 =	vadd.s32 v4, v14;
	[tilespmem:v3+s13+$0x0] =	vst.idx.add.f32.msk $0xffff, v61;
	v3 =	vperm.xlane v8, v55  }
0x86: {  	v0 =	vperm.xlane v0, v24;
	v24 =	vshra.s32 v12, $0x1  }
0x87: {  	v6 =	vld.idx.msk [tilespmem:v11+s3+$0x0], $0xffff;
	[tilespmem:$0x1FFE0] =	vst v3  }
0x88: {  	v5 =	vadd.s32 v4, v5;
	v3 =	vld [tilespmem:s19+$0xFFFFFFA0]  }
0x89: {  	[tilespmem:v10+s13+$0x0] =	vst.idx.add.f32.msk $0xffff, v13  }
0x8a: {  	v2 =	vperm.xlane v8, v18;
	[tilespmem:v7+s13+$0x0] =	vst.idx.add.f32.msk $0xffff, v15  }
0x8b: {  	v28 =	vimm.s32 $0xB;
	v7 =	vld.idx.msk [tilespmem:v24+s3+$0x0], $0xffff  }
0x8c: {  	v2 =	vadd.s32 v4, v2;
	v15 =	vperm.xlane v8, v28;
	v13 =	vld [tilespmem:s17+$0xFFFFFF10]  }
0x8d: {  	[tilespmem:v5+s13+$0x0] =	vst.idx.add.f32.msk $0xffff, v3  }
0x8e: {  	v3 =	vld [tilespmem:s19+$0xFFFFFFB0];
	[tilespmem:$0x1FF90] =	vst v15;
	v15 =	vperm.xlane v8, v47  }
0x8f: {  	v21 =	vimm.s32 $0x2;
	v26 =	vimm.s32 $0xA;
	v63 =	vperm.xlane v1, v51  }
0x90: {  	v12 =	vshll.u32 v12, $0x4;
	v5 =	vadd.s32 v4, v62;
	[tilespmem:$0x1FFA0] =	vst v15;
	v15 =	vperm.xlane v8, v48  }
0x91: {  	v34 =	vperm.xlane v1, v26;
	v33 =	vperm.xlane v1, v28;
	v12 =	vand.u32 $0x10, v12;
	[tilespmem:v2+s13+$0x0] =	vst.idx.add.f32.msk $0xffff, v13  }
0x92: {  	v32 =	vperm.xlane v1, v47;
	v7 =	vshra.s32 v7, v12;
	v2 =	vshll.u32 v9, $0x4;
	v9 =	vld [tilespmem:s17+$0x70];
	[tilespmem:$0x1FFB0] =	vst v15  }
0x93: {  	v28 =	vand.u32 $0xFFFF, v7;
	v13 =	vadd.s32 v4, v63;
	v2 =	vand.u32 $0x10, v2;
	v15 =	vld [tilespmem:s17+$0xFFFFFF20]  }
0x94: {  	v11 =	vperm.xlane v8, v21;
	v39 =	vshll.u32 v28, $0x4;
	v2 =	vshra.s32 v6, v2;
	v6 =	vld [tilespmem:s19+$0xF0]  }
0x95: {  	s20 =	simm.s32 $0xD020;
	v0 =	vadd.s32 v4, v0;
	v7 =	vperm.xlane v39, v19;
	[tilespmem:v5+s13+$0x0] =	vst.idx.add.f32.msk $0xffff, v3  }
0x96: {  	v29 =	vperm.xlane v1, v48;
	v5 =	vadd.s32 v4, v11;
	v11 =	vld [tilespmem:s20+$0x0];
	v3 =	vand.u32 $0xFFFF, v2  }
0x97: {  	v27 =	vperm.xlane v1, v20;
	v45 =	vadd.s32 v4, v7;
	v2 =	vadd.s32 v4, v25;
	v25 =	vmovc v3;
	v3 =	vld [tilespmem:s19+$0xFFFFFFC0]  }
0x98: {  	v42 =	vperm.xlane v8, v17;
	v40 =	vperm.xlane v8, v49;
	[tilespmem:v13+s13+$0x0] =	vst.idx.add.f32.msk $0xffff, v9  }
0x99: {  	v41 =	vperm.xlane v8, v51;
	v38 =	vperm.xlane v8, v52;
	v13 =	vld [tilespmem:s17+$0x80]  }
0x9a: {  	v37 =	vperm.xlane v8, v53;
	v10 =	vperm.xlane v1, v52;
	[tilespmem:v0+s13+$0x0] =	vst.idx.add.f32.msk $0xffff, v6  }
0x9b: {  	v35 =	vperm.xlane v8, v26;
	v31 =	vperm.xlane v8, v20;
	[tilespmem:v5+s13+$0x0] =	vst.idx.add.f32.msk $0xffff, v15  }
0x9c: {  	v14 =	vperm.xlane v8, v16;
	v21 =	vimm.s32 $0xF;
	v6 =	vadd.s32 v4, v10;
	[tilespmem:v45+s13+$0x0] =	vst.idx.add.f32.msk $0xffff, v11  }
0x9d: {  	v26 =	vperm.xlane v1, v21;
	v30 =	vperm.xlane v8, v21;
	v10 =	vadd.s32 v4, v43;
	v43 =	vld [tilespmem:s17+$0xFFFFFF30]  }
0x9e: {  	v1 =	vperm.xlane v1, v53;
	v11 =	vadd.s32 v4, v14;
	[tilespmem:v2+s13+$0x0] =	vst.idx.add.f32.msk $0xffff, v3  }
0x9f: {  	v36 =	vperm.xlane v39, v18;
	v7 =	vperm.xlane v39, v16;
	v8 =	vshll.u32 v25, $0x4;
	v3 =	vld [tilespmem:s19+$0xFFFFFFD0]  }
0xa0: {  	v22 =	vimm.s32 $0x2;
	v9 =	vperm.xlane v8, v19;
	v12 =	vperm.xlane v8, v18  }
0xa1: {  	v59 =	vperm.xlane v8, v22;
	v46 =	vperm.xlane v8, v16;
	[tilespmem:v6+s13+$0x0] =	vst.idx.add.f32.msk $0xffff, v13  }
0xa2: {  	v44 =	vperm.xlane v8, v55;
	v61 =	vperm.xlane v8, v49;
	v14 =	vld [tilespmem:s17+$0x90]  }
0xa3: {  	v63 =	vperm.xlane v8, v52;
	v15 =	vadd.s32 v50, v54;
	[tilespmem:v11+s13+$0x0] =	vst.idx.add.f32.msk $0xffff, v43  }
0xa4: {  	v0 =	vperm.xlane v39, v55;
	v11 =	vadd.s32 v4, v1;
	[tilespmem:v10+s13+$0x0] =	vst.idx.add.f32.msk $0xffff, v3  }
0xa5: {  	v16 =	vmovc v50;
	v54 =	vperm.xlane v39, v49;
	v50 =	vperm.xlane v39, v51;
	v6 =	vadd.s32 v4, v57;
	v10 =	vld [tilespmem:s19+$0xFFFFFFE0]  }
0xa6: {  	v55 =	vperm.xlane v39, v48;
	v49 =	vperm.xlane v8, v47  }
0xa7: {  	v24 =	vimm.s32 $0xA;
	v2 =	vperm.xlane v8, v17;
	v57 =	vperm.xlane v8, v53  }
0xa8: {  	[tilespmem:v15+s14+$0x0] =	vst.idx.add.f32.msk $0xffff, v58;
	v53 =	vperm.xlane v8, v24;
	v1 =	vadd.s32 v4, v12  }
0xa9: {  	v43 =	vperm.xlane v8, v48;
	v48 =	vperm.xlane v8, v20;
	[tilespmem:v11+s13+$0x0] =	vst.idx.add.f32.msk $0xffff, v14  }
0xaa: {  	v23 =	vimm.s32 $0xB;
	v12 =	vadd.s32 v4, v36;
	v36 =	vperm.xlane v8, v21;
	[tilespmem:v6+s13+$0x0] =	vst.idx.add.f32.msk $0xffff, v10  }
0xab: {  	v3 =	vperm.xlane v8, v51;
	v51 =	vperm.xlane v8, v23;
	v8 =	vld [tilespmem:$0x1FFC0];
	_ =	sdelay $0x1  }
0xac: {  	v10 =	vperm.xlane v39, v22;
	_ =	sdelay $0x1  }
0xad: {  	v11 =	vadd.s32 v4, v10;
	v10 =	vld [tilespmem:$0x1FFE0]  }
0xae: {  	v58 =	vadd.s32 v4, v9;
	v9 =	vadd.s32 v4, v8;
	v8 =	vld [tilespmem:$0x1FFD0]  }
0xaf: {  	v62 =	vperm.xlane v39, v17  }
0xb0: {  	v56 =	vperm.xlane v39, v23;
	v60 =	vperm.xlane v39, v47;
	v13 =	vld [tilespmem:s20+$0x10]  }
0xb1: {  	v45 =	vperm.xlane v39, v52;
	v5 =	vperm.xlane v39, v24;
	v14 =	vld [tilespmem:s17+$0xFFFFFF40]  }
0xb2: {  	v52 =	vperm.xlane v39, v20;
	v47 =	vperm.xlane v39, v21;
	v6 =	vld [tilespmem:s19+$0xFFFFFFF0]  }
0xb3: {  	s21 =	simm.s32 $0x4;
	v59 =	vadd.s32 v4, v59;
	s19 =	simm.s32 $0xD020;
	v15 =	vadd.s32 v4, v10;
	v10 =	vld [tilespmem:s17+$0xA0];
	v8 =	vadd.s32 v16, v8  }
.LBB2_7:
0xb4: {  	_ =	sdelay $0x1  }
0xb5: {  	[tilespmem:v12+s13+$0x0] =	vst.idx.add.f32.msk $0xffff, v13  }
0xb6: {  	v12 =	vadd.s32 v4, v34;
	[tilespmem:v9+s13+$0x0] =	vst.idx.add.f32.msk $0xffff, v6;
	v34 =	vmov v5;
	v5 =	vimm.f32 $1.000000000e+00  }
0xb7: {  	[tilespmem:v8+s14+$0x0] =	vst.idx.add.f32.msk $0xffff, v5  }
0xb8: {  	v6 =	vadd.s32 v4, v42;
	v42 =	vmov v2;
	v2 =	vld [tilespmem:s19+$0x20]  }
0xb9: {  	[tilespmem:v15+s13+$0x0] =	vst.idx.add.f32.msk $0xffff, v14  }
0xba: {  	v5 =	vld [tilespmem:s17+$0xFFFFFF50]  }
0xbb: {  	v9 =	vld [tilespmem:s19+$0xFFFFFF00]  }
0xbc: {  	[tilespmem:v12+s13+$0x0] =	vst.idx.add.f32.msk $0xffff, v10  }
0xbd: {  	v8 =	vld [tilespmem:s17+$0xB0]  }
0xbe: {  	v10 =	vadd.s32 v4, v33;
	[tilespmem:v11+s13+$0x0] =	vst.idx.add.f32.msk $0xffff, v2  }
0xbf: {  	v2 =	vld [tilespmem:s19+$0x30]  }
0xc0: {  	v7 =	vadd.s32 v4, v7;
	[tilespmem:v6+s13+$0x0] =	vst.idx.add.f32.msk $0xffff, v5  }
0xc1: {  	v6 =	vadd.s32 v4, v40;
	v5 =	vld [tilespmem:s17+$0xFFFFFF60]  }
0xc2: {  	v14 =	vadd.s32 v4, v26;
	v26 =	vmov v25;
	v25 =	vld [tilespmem:$0x1FFF0]  }
0xc3: {  	[tilespmem:v10+s13+$0x0] =	vst.idx.add.f32.msk $0xffff, v8  }
0xc4: {  	v10 =	vadd.s32 v4, v32;
	v8 =	vld [tilespmem:s17+$0xC0]  }
0xc5: {  	[tilespmem:v7+s13+$0x0] =	vst.idx.add.f32.msk $0xffff, v2  }
0xc6: {  	[tilespmem:v6+s13+$0x0] =	vst.idx.add.f32.msk $0xffff, v5  }
0xc7: {  	v6 =	vadd.s32 v4, v41;
	v5 =	vld [tilespmem:s17+$0xFFFFFF70]  }
0xc8: {  	v2 =	vld [tilespmem:s19+$0x40]  }
0xc9: {  	[tilespmem:v10+s13+$0x0] =	vst.idx.add.f32.msk $0xffff, v8  }
0xca: {  	s18 =	sadd.s32 $0x20, s18;
	v0 =	vadd.s32 v4, v0;
	v41 =	vmov v3;
	v3 =	vld [tilespmem:s17+$0xD0]  }
0xcb: {  	v7 =	vld [tilespmem:s18+$0x0]  }
0xcc: {  	[tilespmem:v6+s13+$0x0] =	vst.idx.add.f32.msk $0xffff, v5;
	v6 =	vadd.s32 v4, v29  }
0xcd: {  	v5 =	vld [tilespmem:s18+$0xFFFFFFF0]  }
0xce: {  	v10 =	vadd.s32 v4, v38;
	v8 =	vld [tilespmem:s17+$0xFFFFFF80]  }
0xcf: {  	v12 =	vmov v56;
	[tilespmem:v0+s13+$0x0] =	vst.idx.add.f32.msk $0xffff, v2  }
0xd0: {  	[tilespmem:$0x1FF50] =	vst v12;
	v2 =	vadd.s32 v4, v62;
	v0 =	vld [tilespmem:s19+$0x50]  }
0xd1: {  	v11 =	vmov v60;
	[tilespmem:v6+s13+$0x0] =	vst.idx.add.f32.msk $0xffff, v3  }
0xd2: {  	v12 =	vadd.s32 v4, v27;
	[tilespmem:$0x1FF60] =	vst v11;
	v3 =	vshra.s32 v7, $0x1;
	v6 =	vshll.u32 v7, $0x4;
	v7 =	vld [tilespmem:s17+$0xE0]  }
0xd3: {  	v11 =	vshra.s32 v5, $0x1;
	[tilespmem:v10+s13+$0x0] =	vst.idx.add.f32.msk $0xffff, v8  }
0xd4: {  	v10 =	vadd.s32 v4, v37;
	v8 =	vld [tilespmem:s17+$0xFFFFFF90]  }
0xd5: {  	[tilespmem:v2+s13+$0x0] =	vst.idx.add.f32.msk $0xffff, v0  }
0xd6: {  	v0 =	vld [tilespmem:s19+$0x60]  }
0xd7: {  	[tilespmem:v12+s13+$0x0] =	vst.idx.add.f32.msk $0xffff, v7  }
0xd8: {  	v2 =	vld.idx.msk [tilespmem:v11+s3+$0x0], $0xffff  }
0xd9: {  	v7 =	vadd.s32 v4, v54;
	[tilespmem:v10+s13+$0x0] =	vst.idx.add.f32.msk $0xffff, v8  }
0xda: {  	v8 =	vld [tilespmem:s17+$0xFFFFFFA0]  }
0xdb: {  	v5 =	vshll.u32 v5, $0x4;
	v10 =	vadd.s32 v4, v35;
	[tilespmem:v58+s13+$0x0] =	vst.idx.add.f32.msk $0xffff, v9  }
0xdc: {  	v5 =	vand.u32 $0x10, v5;
	v9 =	vld [tilespmem:s19+$0xFFFFFF10]  }
0xdd: {  	v2 =	vshra.s32 v2, v5;
	v5 =	vld [tilespmem:$0x1FF90]  }
0xde: {  	[tilespmem:v7+s13+$0x0] =	vst.idx.add.f32.msk $0xffff, v0  }
0xdf: {  	v0 =	vld.idx.msk [tilespmem:v3+s3+$0x0], $0xffff  }
0xe0: {  	[tilespmem:v10+s13+$0x0] =	vst.idx.add.f32.msk $0xffff, v8  }
0xe1: {  	v10 =	vand.u32 $0xFFFF, v2;
	v2 =	vld [tilespmem:$0x1FFA0]  }
0xe2: {  	v3 =	vld [tilespmem:s17+$0xFFFFFFB0];
	v5 =	vadd.s32 v4, v5  }
0xe3: {  	v7 =	vmov v51;
	[tilespmem:v1+s13+$0x0] =	vst.idx.add.f32.msk $0xffff, v9  }
0xe4: {  	[tilespmem:$0x1FF90] =	vst v7;
	v7 =	vadd.s32 v4, v50;
	v1 =	vld [tilespmem:s19+$0x70]  }
0xe5: {  	v21 =	vimm.s32 $0x2;
	v24 =	vimm.s32 $0x3;
	v6 =	vand.u32 $0x10, v6;
	v13 =	vld [tilespmem:s19+$0xFFFFFF20]  }
0xe6: {  	v20 =	vimm.s32 $0x4;
	v22 =	vimm.s32 $0x6;
	v0 =	vshra.s32 v0, v6;
	v6 =	vld [tilespmem:s17+$0xF0]  }
0xe7: {  	v33 =	vmovc v48;
	v48 =	vimm.s32 $0xA;
	v27 =	vmovc v47;
	v40 =	vmov v61;
	v9 =	vshll.u32 v10, $0x4;
	[tilespmem:v5+s13+$0x0] =	vst.idx.add.f32.msk $0xffff, v3  }
0xe8: {  	v37 =	vmovc v57;
	v12 =	vperm.xlane v9, v18;
	v15 =	vperm.xlane v9, v21;
	v11 =	vadd.s32 v4, v2;
	v3 =	vld [tilespmem:s17+$0xFFFFFFC0]  }
0xe9: {  	v47 =	vperm.xlane v9, v24;
	v16 =	vperm.xlane v9, v20;
	v57 =	vand.u32 $0xFFFF, v0;
	[tilespmem:v7+s13+$0x0] =	vst.idx.add.f32.msk $0xffff, v1  }
0xea: {  	v35 =	vmovc v53;
	v61 =	vperm.xlane v9, v22;
	v53 =	vperm.xlane v9, v48;
	v2 =	vmovc v49;
	v17 =	vshll.u32 v57, $0x4;
	v1 =	vld [tilespmem:$0x1FF70]  }
0xeb: {  	s20 =	sadd.s32 $0x200, s20;
	v23 =	vimm.s32 $0x5;
	[tilespmem:$0x1FFA0] =	vst v2;
	v2 =	vperm.xlane v9, v19;
	v7 =	vperm.xlane v17, v24  }
0xec: {  	v8 =	vadd.s32 v4, v31;
	v49 =	vld [tilespmem:s20+$0x0];
	v0 =	vperm.xlane v17, v20;
	v62 =	vperm.xlane v17, v23  }
0xed: {  	v54 =	vperm.xlane v17, v22;
	v22 =	vimm.s32 $0xB;
	v5 =	vperm.xlane v17, v19;
	[tilespmem:v11+s13+$0x0] =	vst.idx.add.f32.msk $0xffff, v3  }
0xee: {  	v38 =	vmovc v63;
	v24 =	vimm.s32 $0xC;
	v58 =	vadd.s32 v4, v2;
	v2 =	vperm.xlane v9, v23;
	v3 =	vld [tilespmem:$0x1FFB0]  }
0xef: {  	v20 =	vld [tilespmem:s19+$0x80];
	v19 =	vperm.xlane v17, v18;
	v51 =	vadd.s32 v4, v5;
	v18 =	vadd.s32 v25, v1;
	v1 =	vmovc v28  }
0xf0: {  	v29 =	vmovc v52;
	v23 =	vimm.s32 $0x7;
	v56 =	vperm.xlane v17, v22;
	v60 =	vperm.xlane v17, v24;
	[tilespmem:v14+s13+$0x0] =	vst.idx.add.f32.msk $0xffff, v6  }
0xf1: {  	v31 =	vmovc v30;
	v30 =	vmovc v57;
	v50 =	vperm.xlane v17, v23;
	v6 =	vadd.s32 v4, v45;
	v28 =	vimm.s32 $0x8;
	[tilespmem:$0x1FF70] =	vst v1;
	v11 =	vld [tilespmem:s17+$0xFFFFFFD0]  }
0xf2: {  	v52 =	vperm.xlane v17, v28;
	v63 =	vperm.xlane v9, v28;
	v28 =	vimm.s32 $0x9;
	v1 =	vmovc v43;
	[tilespmem:v59+s13+$0x0] =	vst.idx.add.f32.msk $0xffff, v13  }
0xf3: {  	v5 =	vperm.xlane v17, v48;
	v57 =	vperm.xlane v9, v28;
	[tilespmem:$0x1FFB0] =	vst v1;
	v14 =	vadd.s32 v4, v3  }
0xf4: {  	v1 =	vadd.s32 v4, v12;
	v12 =	vimm.s32 $0xE;
	[tilespmem:v51+s13+$0x0] =	vst.idx.add.f32.msk $0xffff, v49;
	v51 =	vperm.xlane v9, v22  }
0xf5: {  	v45 =	vmovc v52;
	v59 =	vadd.s32 v4, v46;
	v49 =	vperm.xlane v9, v24;
	v52 =	vperm.xlane v17, v12;
	v13 =	vld [tilespmem:s19+$0xFFFFFF30]  }
0xf6: {  	[tilespmem:v6+s13+$0x0] =	vst.idx.add.f32.msk $0xffff, v20;
	v20 =	vimm.s32 $0xF;
	v48 =	vperm.xlane v9, v12;
	v12 =	vadd.s32 v4, v19  }
0xf7: {  	v46 =	vmovc v47;
	v47 =	vperm.xlane v17, v20;
	v19 =	vld [tilespmem:s19+$0x90];
	v3 =	vperm.xlane v9, v23;
	v23 =	vimm.s32 $0xD  }
0xf8: {  	v32 =	vmov v55;
	v55 =	vperm.xlane v17, v23;
	v43 =	vperm.xlane v9, v23;
	[tilespmem:v14+s13+$0x0] =	vst.idx.add.f32.msk $0xffff, v11  }
0xf9: {  	v11 =	vperm.xlane v9, v20;
	v9 =	vperm.xlane v39, v28;
	v6 =	vld [tilespmem:s17+$0xFFFFFFE0]  }
0xfa: {  	v39 =	vmov v17;
	[tilespmem:v59+s13+$0x0] =	vst.idx.add.f32.msk $0xffff, v13;
	v59 =	vadd.s32 v4, v15;
	v15 =	vmov v26  }
0xfb: {  	v26 =	vmovc v27;
	v27 =	vmovc v29;
	v29 =	vmov v32;
	v32 =	vld [tilespmem:$0x1FF60];
	v17 =	vadd.s32 v4, v9;
	v9 =	vimm.f32 $1.000000000e+00  }
0xfc: {  	[tilespmem:v18+s14+$0x0] =	vst.idx.add.f32.msk $0xffff, v9  }
0xfd: {  	v9 =	vadd.s32 v4, v31;
	v31 =	vmov v33;
	v33 =	vld [tilespmem:$0x1FF50]  }
0xfe: {  	s21 =	sadd.s32 $0x2, s21;
	[tilespmem:v8+s13+$0x0] =	vst.idx.add.f32.msk $0xffff, v6  }
0xff: {  	p0 =	slt.u32 s21, $0x7A;
	v8 =	vld [tilespmem:$0x1FF80]  }
.Ltmp2:
0x100: {  	v13 =	vld [tilespmem:s20+$0x10];
	(pc) =	sbr.rel @p0 .LBB2_7-.Ltmp2, $4  }
0x101: {  	v14 =	vperm.xlane v39, v21;
	v6 =	vld [tilespmem:s17+$0xFFFFFFF0]  }
0x102: {  	v22 =	vimm.s32 $0xD;
	v24 =	vimm.s32 $0xF;
	v23 =	vimm.s32 $0xE;
	v28 =	vmovc v30;
	s17 =	smov.u32 s19;
	[tilespmem:v17+s13+$0x0] =	vst.idx.add.f32.msk $0xffff, v19  }
0x103: {  	v20 =	vimm.s32 $0x2;
	v30 =	vmovc v36;
	v36 =	vmovc v11;
	v18 =	vimm.s32 $0x1;
	v11 =	vadd.s32 v4, v14;
	v14 =	vld [tilespmem:s17+$0xFFFFFF40]  }
0x104: {  	[tilespmem:$0x1FF80] =	vst v15;
	v15 =	vadd.s32 v4, v44;
	v44 =	vmovc v16;
	s19 =	smov.u32 s20;
	v19 =	vimm.s32 $0x0;
	v8 =	vadd.s32 v25, v8;
	v25 =	vmovc v10;
	v10 =	vld [tilespmem:s17+$0xA0]  }
0x105: {  	_ =	sdelay $0x2  }
0x106: {  	v16 =	vld [tilespmem:s19+$0xFFFFFF00]  }
0x107: {  	[tilespmem:v12+s13+$0x0] =	vst.idx.add.f32.msk $0xffff, v13  }
0x108: {  	v12 =	vld [tilespmem:s19+$0x20]  }
0x109: {  	[tilespmem:v15+s13+$0x0] =	vst.idx.add.f32.msk $0xffff, v14  }
0x10a: {  	v15 =	vadd.s32 v4, v42;
	v14 =	vld [tilespmem:s17+$0xFFFFFF50];
	_ =	sdelay $0x1  }
0x10b: {  	[tilespmem:v58+s13+$0x0] =	vst.idx.add.f32.msk $0xffff, v16  }
0x10c: {  	v13 =	vld [tilespmem:s19+$0xFFFFFF10]  }
0x10d: {  	[tilespmem:v11+s13+$0x0] =	vst.idx.add.f32.msk $0xffff, v12  }
0x10e: {  	[tilespmem:v15+s13+$0x0] =	vst.idx.add.f32.msk $0xffff, v14  }
0x10f: {  	v7 =	vadd.s32 v4, v7;
	v14 =	vld [tilespmem:s19+$0x30]  }
0x110: {  	v12 =	vadd.s32 v4, v40;
	v42 =	vld [tilespmem:s17+$0xFFFFFF60];
	_ =	sdelay $0x1  }
0x111: {  	[tilespmem:v1+s13+$0x0] =	vst.idx.add.f32.msk $0xffff, v13  }
0x112: {  	v1 =	vld [tilespmem:s19+$0xFFFFFF20]  }
0x113: {  	[tilespmem:v7+s13+$0x0] =	vst.idx.add.f32.msk $0xffff, v14  }
0x114: {  	[tilespmem:v12+s13+$0x0] =	vst.idx.add.f32.msk $0xffff, v42  }
0x115: {  	v0 =	vadd.s32 v4, v0;
	v12 =	vld [tilespmem:s19+$0x40]  }
0x116: {  	v58 =	vadd.s32 v4, v41;
	v7 =	vld [tilespmem:s17+$0xFFFFFF70];
	_ =	sdelay $0x1  }
0x117: {  	[tilespmem:v59+s13+$0x0] =	vst.idx.add.f32.msk $0xffff, v1  }
0x118: {  	v13 =	vadd.s32 v4, v46;
	v1 =	vld [tilespmem:s19+$0xFFFFFF30]  }
0x119: {  	[tilespmem:v0+s13+$0x0] =	vst.idx.add.f32.msk $0xffff, v12  }
0x11a: {  	[tilespmem:v58+s13+$0x0] =	vst.idx.add.f32.msk $0xffff, v7  }
0x11b: {  	v0 =	vld [tilespmem:s19+$0x50];
	v7 =	vadd.s32 v4, v62  }
0x11c: {  	v40 =	vld [tilespmem:s17+$0xFFFFFF80]  }
0x11d: {  	v41 =	vadd.s32 v4, v38;
	[tilespmem:v13+s13+$0x0] =	vst.idx.add.f32.msk $0xffff, v1  }
0x11e: {  	v13 =	vadd.s32 v4, v44;
	v12 =	vld [tilespmem:s19+$0xFFFFFF40];
	_ =	sdelay $0x1  }
0x11f: {  	[tilespmem:v7+s13+$0x0] =	vst.idx.add.f32.msk $0xffff, v0  }
0x120: {  	v44 =	vadd.s32 v4, v34;
	v0 =	vld [tilespmem:s19+$0x60]  }
0x121: {  	v7 =	vadd.s32 v4, v54;
	[tilespmem:v41+s13+$0x0] =	vst.idx.add.f32.msk $0xffff, v40  }
0x122: {  	[tilespmem:v13+s13+$0x0] =	vst.idx.add.f32.msk $0xffff, v12  }
0x123: {  	v2 =	vadd.s32 v4, v2;
	v12 =	vld [tilespmem:s19+$0xFFFFFF50]  }
0x124: {  	v1 =	vld [tilespmem:s17+$0xFFFFFF90]  }
0x125: {  	v42 =	vadd.s32 v4, v37;
	[tilespmem:v44+s13+$0x0] =	vst.idx.add.f32.msk $0xffff, v10  }
0x126: {  	[tilespmem:v7+s13+$0x0] =	vst.idx.add.f32.msk $0xffff, v0  }
0x127: {  	v7 =	vadd.s32 v4, v50;
	v0 =	vld [tilespmem:s19+$0x70]  }
0x128: {  	[tilespmem:v2+s13+$0x0] =	vst.idx.add.f32.msk $0xffff, v12  }
0x129: {  	v46 =	vadd.s32 v4, v61;
	v2 =	vld [tilespmem:s19+$0xFFFFFF60]  }
0x12a: {  	[tilespmem:v42+s13+$0x0] =	vst.idx.add.f32.msk $0xffff, v1  }
0x12b: {  	v50 =	vld [tilespmem:s17+$0xFFFFFFA0]  }
0x12c: {  	[tilespmem:v7+s13+$0x0] =	vst.idx.add.f32.msk $0xffff, v0;
	v7 =	vadd.s32 v4, v35  }
0x12d: {  	v13 =	vadd.s32 v4, v45;
	v12 =	vld [tilespmem:s19+$0x80]  }
0x12e: {  	[tilespmem:v46+s13+$0x0] =	vst.idx.add.f32.msk $0xffff, v2  }
0x12f: {  	v58 =	vadd.s32 v4, v3;
	v54 =	vld [tilespmem:s19+$0xFFFFFF70]  }
0x130: {  	v3 =	vld [tilespmem:s17+$0xB0]  }
0x131: {  	[tilespmem:v7+s13+$0x0] =	vst.idx.add.f32.msk $0xffff, v50  }
0x132: {  	[tilespmem:v13+s13+$0x0] =	vst.idx.add.f32.msk $0xffff, v12;
	v13 =	vimm.s32 $0x9  }
0x133: {  	v59 =	vperm.xlane v39, v13;
	v61 =	vld [tilespmem:s19+$0x90]  }
0x134: {  	v7 =	vadd.s32 v4, v33;
	[tilespmem:v58+s13+$0x0] =	vst.idx.add.f32.msk $0xffff, v54  }
0x135: {  	v0 =	vadd.s32 v4, v59;
	v2 =	vld [tilespmem:$0x1FF90];
	_ =	sdelay $0x1  }
0x136: {  	v62 =	vld [tilespmem:s17+$0xFFFFFFB0]  }
0x137: {  	v12 =	vadd.s32 v4, v63;
	v11 =	vld [tilespmem:s19+$0xFFFFFF80]  }
0x138: {  	[tilespmem:v7+s13+$0x0] =	vst.idx.add.f32.msk $0xffff, v3  }
0x139: {  	[tilespmem:v0+s13+$0x0] =	vst.idx.add.f32.msk $0xffff, v61;
	v2 =	vadd.s32 v4, v2  }
0x13a: {  	v3 =	vadd.s32 v4, v5;
	v0 =	vld [tilespmem:s19+$0xA0]  }
0x13b: {  	v33 =	vld [tilespmem:s17+$0xC0]  }
0x13c: {  	[tilespmem:v12+s13+$0x0] =	vst.idx.add.f32.msk $0xffff, v11  }
0x13d: {  	v5 =	vld [tilespmem:s19+$0xFFFFFF90]  }
0x13e: {  	v7 =	vadd.s32 v4, v57;
	[tilespmem:v2+s13+$0x0] =	vst.idx.add.f32.msk $0xffff, v62  }
0x13f: {  	[tilespmem:v3+s13+$0x0] =	vst.idx.add.f32.msk $0xffff, v0  }
0x140: {  	v34 =	vadd.s32 v4, v32;
	v0 =	vld [tilespmem:$0x1FFA0]  }
0x141: {  	v3 =	vld [tilespmem:s17+$0xFFFFFFC0]  }
0x142: {  	v35 =	vadd.s32 v4, v56;
	v10 =	vld [tilespmem:s19+$0xB0]  }
0x143: {  	[tilespmem:v7+s13+$0x0] =	vst.idx.add.f32.msk $0xffff, v5  }
0x144: {  	v38 =	vadd.s32 v4, v53;
	v37 =	vld [tilespmem:s19+$0xFFFFFFA0]  }
0x145: {  	[tilespmem:v34+s13+$0x0] =	vst.idx.add.f32.msk $0xffff, v33  }
0x146: {  	v39 =	vld [tilespmem:s17+$0xD0];
	v0 =	vadd.s32 v4, v0  }
0x147: {  	[tilespmem:v35+s13+$0x0] =	vst.idx.add.f32.msk $0xffff, v10  }
0x148: {  	v5 =	vld [tilespmem:s19+$0xC0]  }
0x149: {  	v7 =	vadd.s32 v4, v60;
	[tilespmem:v38+s13+$0x0] =	vst.idx.add.f32.msk $0xffff, v37  }
0x14a: {  	v42 =	vadd.s32 v4, v51;
	v41 =	vld [tilespmem:s19+$0xFFFFFFB0]  }
0x14b: {  	[tilespmem:v0+s13+$0x0] =	vst.idx.add.f32.msk $0xffff, v3  }
0x14c: {  	v40 =	vld [tilespmem:s17+$0xFFFFFFD0]  }
0x14d: {  	v3 =	vadd.s32 v4, v29;
	v2 =	vld [tilespmem:$0x1FFB0]  }
0x14e: {  	[tilespmem:v7+s13+$0x0] =	vst.idx.add.f32.msk $0xffff, v5  }
0x14f: {  	[tilespmem:v42+s13+$0x0] =	vst.idx.add.f32.msk $0xffff, v41  }
0x150: {  	v5 =	vadd.s32 v4, v49;
	v7 =	vld [tilespmem:s19+$0xFFFFFFC0]  }
0x151: {  	v44 =	vld [tilespmem:s19+$0xD0]  }
0x152: {  	[tilespmem:v3+s13+$0x0] =	vst.idx.add.f32.msk $0xffff, v39;
	v3 =	vadd.s32 v4, v55  }
0x153: {  	[tilespmem:v9+s13+$0x0] =	vst.idx.add.f32.msk $0xffff, v6;
	v2 =	vadd.s32 v4, v2  }
0x154: {  	v45 =	vld [tilespmem:s17+$0xE0]  }
0x155: {  	[tilespmem:v5+s13+$0x0] =	vst.idx.add.f32.msk $0xffff, v7  }
0x156: {  	v46 =	vadd.s32 v4, v27;
	v53 =	vld [tilespmem:s19+$0xFFFFFFD0]  }
0x157: {  	[tilespmem:v3+s13+$0x0] =	vst.idx.add.f32.msk $0xffff, v44  }
0x158: {  	v54 =	vadd.s32 v4, v43;
	[tilespmem:v2+s13+$0x0] =	vst.idx.add.f32.msk $0xffff, v40  }
0x159: {  	v50 =	vadd.s32 v4, v31;
	v3 =	vld [tilespmem:s17+$0xFFFFFFE0]  }
0x15a: {  	v51 =	vld [tilespmem:s19+$0xE0]  }
0x15b: {  	[tilespmem:v46+s13+$0x0] =	vst.idx.add.f32.msk $0xffff, v45  }
0x15c: {  	v52 =	vadd.s32 v4, v52;
	v55 =	vld [tilespmem:s17+$0xF0]  }
0x15d: {  	[tilespmem:v54+s13+$0x0] =	vst.idx.add.f32.msk $0xffff, v53  }
0x15e: {  	[tilespmem:v50+s13+$0x0] =	vst.idx.add.f32.msk $0xffff, v3;
	v3 =	vadd.s32 v4, v26  }
0x15f: {  	v7 =	vadd.s32 v4, v30;
	v5 =	vld [tilespmem:s17+$0xFFFFFFF0]  }
0x160: {  	v59 =	vld [tilespmem:s19+$0xFFFFFFE0]  }
0x161: {  	[tilespmem:v52+s13+$0x0] =	vst.idx.add.f32.msk $0xffff, v51  }
0x162: {  	v56 =	vadd.s32 v4, v47;
	v57 =	vld [tilespmem:s19+$0xF0]  }
0x163: {  	[tilespmem:v3+s13+$0x0] =	vst.idx.add.f32.msk $0xffff, v55  }
0x164: {  	v58 =	vadd.s32 v4, v48;
	[tilespmem:v7+s13+$0x0] =	vst.idx.add.f32.msk $0xffff, v5  }
0x165: {  	v0 =	vld [tilespmem:$0x1FF70]  }
0x166: {  	v50 =	vld [tilespmem:$0x1FFF0]  }
0x167: {  	[tilespmem:v56+s13+$0x0] =	vst.idx.add.f32.msk $0xffff, v57  }
0x168: {  	v1 =	vld [tilespmem:$0x1FF80]  }
0x169: {  	[tilespmem:v58+s13+$0x0] =	vst.idx.add.f32.msk $0xffff, v59  }
0x16a: {  	v5 =	vadd.s32 v4, v36;
	v3 =	vld [tilespmem:s19+$0xFFFFFFF0]  }
0x16b: {  	v0 =	vadd.s32 v50, v0  }
0x16c: {  	v60 =	vadd.s32 v50, v28  }
0x16d: {  	v7 =	vimm.f32 $1.000000000e+00;
	v6 =	vadd.s32 v50, v25  }
0x16e: {  	[tilespmem:v8+s14+$0x0] =	vst.idx.add.f32.msk $0xffff, v7;
	v1 =	vadd.s32 v50, v1  }
0x16f: {  	[tilespmem:v5+s13+$0x0] =	vst.idx.add.f32.msk $0xffff, v3  }
0x170: {  	[tilespmem:v0+s14+$0x0] =	vst.idx.add.f32.msk $0xffff, v7  }
0x171: {  	[tilespmem:v60+s14+$0x0] =	vst.idx.add.f32.msk $0xffff, v7  }
0x172: {  	[tilespmem:v6+s14+$0x0] =	vst.idx.add.f32.msk $0xffff, v7  }
0x173: {  	[tilespmem:v1+s14+$0x0] =	vst.idx.add.f32.msk $0xffff, v7  }
0x174: {  	v0 =	vld [tilespmem:$0xCB10];
	_ =	sdelay $0x4  }
0x175: {  	v61 =	vshra.s32 v0, $0x1;
	_ =	sdelay $0x4  }
0x176: {  	v1 =	vld.idx.msk [tilespmem:v61+s3+$0x0], $0xffff;
	_ =	sdelay $0x2  }
0x177: {  	v0 =	vshll.u32 v0, $0x4  }
0x178: {  	v0 =	vand.u32 $0x10, v0  }
0x179: {  	v0 =	vshra.s32 v1, v0  }
0x17a: {  	v0 =	vand.u32 $0xFFFF, v0  }
0x17b: {  	v62 =	vshll.u32 v0, $0x4  }
0x17c: {  	v63 =	vperm.xlane v62, v19;
	_ =	sdelay $0x1  }
0x17d: {  	v3 =	vld [tilespmem:$0x14720];
	v2 =	vadd.s32 v4, v63;
	_ =	sdelay $0x3  }
0x17e: {  	v5 =	vperm.xlane v62, v18  }
0x17f: {  	[tilespmem:v2+s13+$0x0] =	vst.idx.add.f32.msk $0xffff, v3  }
0x180: {  	v3 =	vadd.s32 v4, v5;
	v2 =	vld [tilespmem:$0x14730];
	_ =	sdelay $0x3  }
0x181: {  	v5 =	vperm.xlane v62, v20  }
0x182: {  	[tilespmem:v3+s13+$0x0] =	vst.idx.add.f32.msk $0xffff, v2  }
0x183: {  	v3 =	vadd.s32 v4, v5;
	v2 =	vld [tilespmem:$0x14740];
	_ =	sdelay $0x2  }
0x184: {  	v5 =	vimm.s32 $0x3  }
0x185: {  	v5 =	vperm.xlane v62, v5  }
0x186: {  	[tilespmem:v3+s13+$0x0] =	vst.idx.add.f32.msk $0xffff, v2  }
0x187: {  	v3 =	vadd.s32 v4, v5;
	v2 =	vld [tilespmem:$0x14750];
	_ =	sdelay $0x2  }
0x188: {  	v5 =	vimm.s32 $0x4  }
0x189: {  	v5 =	vperm.xlane v62, v5  }
0x18a: {  	[tilespmem:v3+s13+$0x0] =	vst.idx.add.f32.msk $0xffff, v2  }
0x18b: {  	v3 =	vadd.s32 v4, v5;
	v2 =	vld [tilespmem:$0x14760];
	_ =	sdelay $0x2  }
0x18c: {  	v5 =	vimm.s32 $0x5  }
0x18d: {  	v5 =	vperm.xlane v62, v5  }
0x18e: {  	[tilespmem:v3+s13+$0x0] =	vst.idx.add.f32.msk $0xffff, v2  }
0x18f: {  	v3 =	vadd.s32 v4, v5;
	v2 =	vld [tilespmem:$0x14770];
	_ =	sdelay $0x2  }
0x190: {  	v5 =	vimm.s32 $0x6  }
0x191: {  	v5 =	vperm.xlane v62, v5  }
0x192: {  	[tilespmem:v3+s13+$0x0] =	vst.idx.add.f32.msk $0xffff, v2  }
0x193: {  	v3 =	vadd.s32 v4, v5;
	v2 =	vld [tilespmem:$0x14780];
	_ =	sdelay $0x2  }
0x194: {  	v5 =	vimm.s32 $0x7  }
0x195: {  	v5 =	vperm.xlane v62, v5  }
0x196: {  	[tilespmem:v3+s13+$0x0] =	vst.idx.add.f32.msk $0xffff, v2  }
0x197: {  	v3 =	vadd.s32 v4, v5;
	v2 =	vld [tilespmem:$0x14790];
	_ =	sdelay $0x2  }
0x198: {  	v5 =	vimm.s32 $0x8  }
0x199: {  	v5 =	vperm.xlane v62, v5  }
0x19a: {  	[tilespmem:v3+s13+$0x0] =	vst.idx.add.f32.msk $0xffff, v2  }
0x19b: {  	v3 =	vadd.s32 v4, v5;
	v2 =	vld [tilespmem:$0x147A0];
	_ =	sdelay $0x3  }
0x19c: {  	v5 =	vperm.xlane v62, v13  }
0x19d: {  	[tilespmem:v3+s13+$0x0] =	vst.idx.add.f32.msk $0xffff, v2  }
0x19e: {  	v3 =	vadd.s32 v4, v5;
	v2 =	vld [tilespmem:$0x147B0];
	_ =	sdelay $0x2  }
0x19f: {  	v5 =	vimm.s32 $0xA  }
0x1a0: {  	v5 =	vperm.xlane v62, v5  }
0x1a1: {  	[tilespmem:v3+s13+$0x0] =	vst.idx.add.f32.msk $0xffff, v2  }
0x1a2: {  	v3 =	vadd.s32 v4, v5;
	v2 =	vld [tilespmem:$0x147C0];
	_ =	sdelay $0x2  }
0x1a3: {  	v5 =	vimm.s32 $0xB  }
0x1a4: {  	v5 =	vperm.xlane v62, v5  }
0x1a5: {  	[tilespmem:v3+s13+$0x0] =	vst.idx.add.f32.msk $0xffff, v2  }
0x1a6: {  	v3 =	vadd.s32 v4, v5;
	v2 =	vld [tilespmem:$0x147D0];
	_ =	sdelay $0x2  }
0x1a7: {  	v5 =	vimm.s32 $0xC  }
0x1a8: {  	v5 =	vperm.xlane v62, v5  }
0x1a9: {  	[tilespmem:v3+s13+$0x0] =	vst.idx.add.f32.msk $0xffff, v2  }
0x1aa: {  	v3 =	vadd.s32 v4, v5;
	v2 =	vld [tilespmem:$0x147E0];
	_ =	sdelay $0x3  }
0x1ab: {  	v5 =	vperm.xlane v62, v22  }
0x1ac: {  	[tilespmem:v3+s13+$0x0] =	vst.idx.add.f32.msk $0xffff, v2  }
0x1ad: {  	v3 =	vadd.s32 v4, v5;
	v2 =	vld [tilespmem:$0x147F0];
	_ =	sdelay $0x3  }
0x1ae: {  	v5 =	vperm.xlane v62, v23  }
0x1af: {  	[tilespmem:v3+s13+$0x0] =	vst.idx.add.f32.msk $0xffff, v2  }
0x1b0: {  	v3 =	vadd.s32 v4, v5;
	v2 =	vld [tilespmem:$0x14800];
	_ =	sdelay $0x3  }
0x1b1: {  	v1 =	vperm.xlane v62, v24  }
0x1b2: {  	[tilespmem:v3+s13+$0x0] =	vst.idx.add.f32.msk $0xffff, v2  }
0x1b3: {  	s16 =	sadd.s32 $0x1, s16;
	v1 =	vadd.s32 v4, v1;
	v2 =	vld [tilespmem:$0x14810]  }
0x1b4: {  	p0 =	sne.s32 s16, $0x19;
	v0 =	vadd.s32 v50, v0  }
.Ltmp3:
0x1b5: {  	v17 =	vimm.s32 $0x5;
	(pc) =	sbr.rel @p0 .LBB2_6-.Ltmp3, $4  }
0x1b6: {  	v16 =	vimm.s32 $0x3;
	v15 =	vimm.s32 $0xD;
	v14 =	vimm.s32 $0xC  }
0x1b7: {  	v49 =	vimm.s32 $0x6;
	v53 =	vimm.s32 $0x9;
	v51 =	vimm.s32 $0x7  }
0x1b8: {  	v52 =	vimm.s32 $0x8;
	v58 =	vimm.f32 $1.000000000e+00;
	v24 =	vimm.s32 $0xF;
	[tilespmem:v1+s13+$0x0] =	vst.idx.add.f32.msk $0xffff, v2  }
0x1b9: {  	v13 =	vimm.s32 $0xB;
	v22 =	vimm.s32 $0xE;
	v5 =	vimm.s32 $0x2;
	[tilespmem:v0+s14+$0x0] =	vst.idx.add.f32.msk $0xffff, v7  }
0x1ba: {  	[hbm4b:s7+s3] =	stream.linear.scatter [tilespmem:s13], [sflag:$0x1], $0x2000, $0x38;
	[tilespmem:$0x18830] =	vst v63  }
0x1bb: {  	s15 =	sadd.s32 $0x1, s15;
	_ =	swait.ge [sflag:s10], $0x2000  }
0x1bc: {  	p0 =	sne.s32 s15, s9;
	[sflag:s10] =	ssyncset.done $0x0  }
.Ltmp4:
0x1bd: {  	[sflag:s10] =	ssyncadd.s32 $0xFFFFE000;
	(pc) =	sbr.rel @p0 .LBB2_1-.Ltmp4, $4  }
0x1be: {  	[hbm4b:s8+s3] =	stream.linear.scatter [tilespmem:s14], [sflag:$0x1], $0x2010, $0x38;
	[tilespmem:$0x18830] =	vst v63  }
0x1bf: {  	_ =	swait.ge [sflag:s10], $0x2010  }
0x1c0: {  	[sflag:s10] =	ssyncset.done $0x0  }
0x1c1: {  	v0 =	vimm.f32 $0.0e+00;
	[sflag:s10] =	ssyncadd.s32 $0xFFFFDFF0  }
0x1c2: {  	_ =	sfence.sel $0x180000  }
0x1c3: {  	[bflag:$0x0] =	sbarrier.arrive $0xFFFF  }
0x1c4: {  	p0 =	sne.s32 s1, $0x0;
	_ =	strace $0x90000047  }
0x1c5: {  	s0 =	sadd.s32 @!p0 $0x100000, s0;
	[bflag:$0x2] =	sbarrier.arrive $0xFFFF  }
0x1c6: {  	[sflag:s0] =	ssyncadd.tile.s32 @!p0 $0x1;
	_ =	shalt  }
.Lfunc_end2:
_tile_overlayer_lowered:
.L_overlay_start_2:
0x1c7: {  	(tag) =	ssettag $0x2  }
0x1c8: {  	s0 =	rddreg [dreg:$0x0];
	s2 =	stileid.u32  }
0x1c9: {  	s1 =	rddreg [dreg:$0x1];
	p0 =	sne.s32 s2, $0x0  }
0x1ca: {  	s3 =	rddreg [dreg:$0x2];
	[bflag:$0x3] =	sbarrier.arrive $0xFFFF;
	s2 =	simm.s32 @!p0 $0x1C01  }
0x1cb: {  	[timem:s3], [sflag:s2] =	dma.local @!p0 [hbm:s0], s1  }
0x1cc: {  	s0 =	simm.s32 @!p0 $0x1  }
0x1cd: {  	_ =	swait.ge @!p0 [sflag:s0], s1  }
0x1ce: {  	s1 =	ssub.s32 @!p0 $0x0, s1;
	[sflag:s0] =	ssyncset.done @!p0 $0x0  }
0x1cf: {  	[sflag:s0] =	ssyncadd.s32 @!p0 s1  }
0x1d0: {  	[bflag:$0x3] =	sbarrier.arrive $0xFFFF  }
0x1d1: {  	_ =	shalt  }

</sc_bundles>
